<compile_context>
chip_gen: v7x
topology: tpu7x:2x2x1
jax: 0.10.2.dev20260603
libtpu: 0.0.44.dev20260713+nightly
codegen_flags: <defaults>
</compile_context>

<pallas_src>
import functools

import jax
import jax.numpy as jnp
from jax import lax
from jax.experimental import pallas as pl
from jax.experimental.pallas import tpu as pltpu
from jax.experimental.pallas import tpu_sc as plsc

F = 26
V = 100000
D = 32
B = 16384
NC = 2
NS = 16
NW = NC * NS
LANES = 16
PAIRS = F * D
PER_W = PAIRS // NW
CH = 4096
NCH = B // CH
UNROLL = 16


def _make_kernel():
  mesh = plsc.VectorSubcoreMesh(core_axis_name="c", subcore_axis_name="s")

  @functools.partial(
      pl.kernel,
      mesh=mesh,
      compiler_params=pltpu.CompilerParams(needs_layout_passes=False),
      out_type=jax.ShapeDtypeStruct((F, D, B), jnp.float32),
      scratch_types=[
          pltpu.VMEM((V,), jnp.float32),
          pltpu.VMEM((B,), jnp.int32),
          pltpu.VMEM((CH,), jnp.float32),
          pltpu.VMEM((CH,), jnp.float32),
          pltpu.SemaphoreType.DMA,
          pltpu.SemaphoreType.DMA,
          pltpu.SemaphoreType.DMA,
      ],
  )
  def tab_gather(idx_hbm, tab_hbm, out_hbm, row_v, idx_v, res0, res1, ws0,
                 ws1, isem):
    wid = lax.axis_index("s") * NC + lax.axis_index("c")
    bufs = (res0, res1)
    sems = (ws0, ws1)

    def pair(i, f_prev):
      s = i + wid
      s = s - jnp.where(s >= PER_W, PER_W, 0)
      s = s - jnp.where(s >= PER_W, PER_W, 0)
      p = wid * PER_W + s
      f = p // D
      d = p % D
      newf = f != f_prev

      @pl.when(newf)
      def _():
        pltpu.async_copy(idx_hbm.at[f], idx_v, isem)

      pltpu.sync_copy(tab_hbm.at[f, d], row_v)

      @pl.when(newf)
      def _():
        pltpu.make_async_copy(idx_hbm.at[f], idx_v, isem).wait()

      for c in range(NCH):
        res = bufs[c % 2]
        sem = sems[c % 2]
        prev_c = (c - 2) % NCH

        def _wait(_res=res, _sem=sem, _pc=prev_c):
          pltpu.make_async_copy(
              _res, out_hbm.at[f, d, pl.ds(_pc * CH, CH)], _sem).wait()

        if c >= 2:
          _wait()
        else:
          pl.when(i > 0)(_wait)

        def vec(jo, carry, _c=c, _res=res):
          for u in range(UNROLL):
            off = (jo * UNROLL + u) * LANES
            g = plsc.load_gather(row_v, [idx_v[pl.ds(_c * CH + off, LANES)]])
            _res[pl.ds(off, LANES)] = g
          return carry

        lax.fori_loop(0, CH // LANES // UNROLL, vec, 0)
        pltpu.async_copy(res, out_hbm.at[f, d, pl.ds(c * CH, CH)], sem)

      return f

    lax.fori_loop(0, PER_W, pair, jnp.int32(-1))

    p_last = wid * PER_W + PER_W - 1
    fl = p_last // D
    dl = p_last % D
    pltpu.make_async_copy(
        res0, out_hbm.at[fl, dl, pl.ds((NCH - 2) * CH, CH)], ws0).wait()
    pltpu.make_async_copy(
        res1, out_hbm.at[fl, dl, pl.ds((NCH - 1) * CH, CH)], ws1).wait()

  return tab_gather


_GATHER = _make_kernel()


def kernel(indices, tables):
  idx_t = indices.T
  tab_t = jnp.transpose(tables, (0, 2, 1))
  out_t = _GATHER(idx_t, tab_t)
  return jnp.transpose(out_t, (2, 0, 1))

# --- scband reference (transcript-rebuilt; emitter-appended) ---
"""Pipeline reference for scband-tabular-embeddings-60971355734560 (READ-ONLY COPY).

The authoritative reference and input builder live on the scoring server;
editing this copy changes nothing except your own understanding.
"""

import jax, jax.numpy as jnp
import numpy as np

NUM_FEATURES = 26
NUM_CATEGORIES = 100000
CATEGORY_SIZE = 1
NUM_HIDDENS = 32
BATCH = 16384


def setup_inputs(seed: int = 0) -> dict:
    key = jax.random.key(seed)
    k1, k2 = jax.random.split(key)
    # tab_data: one int column per sparse feature, flattened to [B, F]
    indices = jax.random.randint(k1, (BATCH, NUM_FEATURES), 0, NUM_CATEGORIES, dtype=jnp.int32)
    # learned parameters: one embedding table per feature, stacked [F, vocab, d]
    tables = jax.random.normal(k2, (NUM_FEATURES, NUM_CATEGORIES, NUM_HIDDENS), dtype=jnp.float32) * 0.02
    return {"indices": indices, "tables": tables}


def reference(indices, tables):
    # Faithful translation of TabularEmbeddings.forward in eval mode:
    #  values = values.clamp_max(num_categories * category_size - 1) // category_size
    #  emb_f = embeddings[feat](values)  -> gather from per-feature table
    #  out = stack(embs, dim=1)          -> [B, F, d]
    #  FeatureDropout is identity when not training.
    clamped = jnp.minimum(indices, NUM_CATEGORIES * CATEGORY_SIZE - 1) // CATEGORY_SIZE
    clamped = clamped.astype(jnp.int32)

    def lookup(table, idx):
        return jnp.take(table, idx, axis=0)  # [B, d]

    # vmap over the feature axis: tables[f] gathered with clamped[:, f]
    out = jax.vmap(lookup, in_axes=(0, 1), out_axes=1)(tables, clamped)  # [B, F, d]
    return out

if __name__ == "__main__":
    import jax
    _d = setup_inputs()
    print(jax.jit(kernel)(*tuple(_d.values())))

</pallas_src>

<mosaic_0001>
#map = affine_map<(d0, d1) -> (0, 0)>
#map1 = affine_map<(d0, d1) -> (0, 0, 0)>
module attributes {stable_mosaic.version = 14 : i64} {
  func.func @tab_gather(%arg0: i32, %arg1: i32, %arg2: memref<26x16384xi32, #tpu.memory_space<hbm>>, %arg3: memref<26x32x100000xf32, #tpu.memory_space<hbm>>, %arg4: memref<26x32x16384xf32, #tpu.memory_space<hbm>>, %arg5: memref<100000xf32, #tpu.memory_space<vmem>>, %arg6: memref<16384xi32, #tpu.memory_space<vmem>>, %arg7: memref<4096xf32, #tpu.memory_space<vmem>>, %arg8: memref<4096xf32, #tpu.memory_space<vmem>>, %arg9: memref<!tpu.dma_semaphore, #tpu.memory_space<semaphore_mem>>, %arg10: memref<!tpu.dma_semaphore, #tpu.memory_space<semaphore_mem>>, %arg11: memref<!tpu.dma_semaphore, #tpu.memory_space<semaphore_mem>>) attributes {dimension_semantics = [#tpu.dimension_semantics<core_parallel>, #tpu.dimension_semantics<subcore_parallel>], iteration_bounds = array<i64: 2, 16>, scalar_prefetch = 0 : i64, scratch_operands = 7 : i64, tpu.core_type = #tpu.core_type<sc_vector_subcore>, window_params = [{transform_indices = #map}, {transform_indices = #map1}, {transform_indices = #map1}]} {
    %mul3A = arith.constant 2 : i32
    %mul3A_0 = arith.muli %arg1, %mul3A : i32
    %add3A = arith.addi %mul3A_0, %arg0 : i32
    %scan3A = arith.constant -1 : i32
    %scan3A_1 = arith.constant 0 : i32
    %scan3A_2 = arith.constant 26 : i32
    %scan3A_3 = arith.addi %scan3A_1, %scan3A_2 : i32
    %scan3A_4 = arith.constant 1 : i32
    %scan3A_5 = scf.for %scan3A_54 = %scan3A_1 to %scan3A_3 step %scan3A_4 iter_args(%scan3A_55 = %scan3A) -> (i32)  : i32 {
      %add3A_56 = arith.addi %scan3A_54, %add3A : i32
      %ge3A = arith.constant 26 : i32
      %ge3A_57 = arith.cmpi sge, %add3A_56, %ge3A : i32
      %jit3A_58 = arith.constant 26 : i32
      %jit3A_59 = arith.constant 0 : i32
      %select_n3A_60 = arith.select %ge3A_57, %jit3A_58, %jit3A_59 : i32
      %sub3A_61 = arith.subi %add3A_56, %select_n3A_60 : i32
      %ge3A_62 = arith.constant 26 : i32
      %ge3A_63 = arith.cmpi sge, %sub3A_61, %ge3A_62 : i32
      %jit3A_64 = arith.constant 26 : i32
      %jit3A_65 = arith.constant 0 : i32
      %select_n3A_66 = arith.select %ge3A_63, %jit3A_64, %jit3A_65 : i32
      %sub3A_67 = arith.subi %sub3A_61, %select_n3A_66 : i32
      %mul3A_68 = arith.constant 26 : i32
      %mul3A_69 = arith.muli %add3A, %mul3A_68 : i32
      %add3A_70 = arith.addi %mul3A_69, %sub3A_67 : i32
      %jit3A_71 = arith.constant 32 : i32
      %div3A_72 = arith.divsi %add3A_70, %jit3A_71 : i32
      %sign3A_73 = arith.constant 0 : i32
      %sign3A_74 = arith.cmpi sgt, %add3A_70, %sign3A_73 : i32
      %sign3A_75 = arith.extui %sign3A_74 : i1 to i32
      %sign3A_76 = arith.constant 0 : i32
      %sign3A_77 = arith.cmpi slt, %add3A_70, %sign3A_76 : i32
      %sign3A_78 = arith.extui %sign3A_77 : i1 to i32
      %sign3A_79 = arith.subi %sign3A_75, %sign3A_78 : i32
      %sign3A_80 = arith.constant 0 : i32
      %sign3A_81 = arith.cmpi sgt, %jit3A_71, %sign3A_80 : i32
      %sign3A_82 = arith.extui %sign3A_81 : i1 to i32
      %sign3A_83 = arith.constant 0 : i32
      %sign3A_84 = arith.cmpi slt, %jit3A_71, %sign3A_83 : i32
      %sign3A_85 = arith.extui %sign3A_84 : i1 to i32
      %sign3A_86 = arith.subi %sign3A_82, %sign3A_85 : i32
      %ne3A_87 = arith.cmpi ne, %sign3A_79, %sign3A_86 : i32
      %rem3A_88 = arith.remsi %add3A_70, %jit3A_71 : i32
      %ne3A_89 = arith.constant 0 : i32
      %ne3A_90 = arith.cmpi ne, %rem3A_88, %ne3A_89 : i32
      %and3A_91 = arith.andi %ne3A_87, %ne3A_90 : i1
      %sub3A_92 = arith.constant 1 : i32
      %sub3A_93 = arith.subi %div3A_72, %sub3A_92 : i32
      %select_n3A_94 = arith.select %and3A_91, %sub3A_93, %div3A_72 : i32
      %jit3A_95 = arith.constant 32 : i32
      %eq3A_96 = arith.constant 0 : i32
      %eq3A_97 = arith.cmpi eq, %jit3A_95, %eq3A_96 : i32
      %jit3A_98 = arith.constant 1 : i32
      %select_n3A_99 = arith.select %eq3A_97, %jit3A_98, %jit3A_95 : i32
      %rem3A_100 = arith.remsi %add3A_70, %select_n3A_99 : i32
      %ne3A_101 = arith.constant 0 : i32
      %ne3A_102 = arith.cmpi ne, %rem3A_100, %ne3A_101 : i32
      %lt3A_103 = arith.constant 0 : i32
      %lt3A_104 = arith.cmpi slt, %rem3A_100, %lt3A_103 : i32
      %lt3A_105 = arith.constant 0 : i32
      %lt3A_106 = arith.cmpi slt, %select_n3A_99, %lt3A_105 : i32
      %ne3A_107 = arith.xori %lt3A_104, %lt3A_106 : i1
      %and3A_108 = arith.andi %ne3A_107, %ne3A_102 : i1
      %add3A_109 = arith.addi %rem3A_100, %select_n3A_99 : i32
      %select_n3A_110 = arith.select %and3A_108, %add3A_109, %rem3A_100 : i32
      %ne3A_111 = arith.cmpi ne, %select_n3A_94, %scan3A_55 : i32
      %convert_element_type3A = arith.extui %ne3A_111 : i1 to i32
      %cond3A = arith.constant 0 : i32
      %cond3A_112 = arith.cmpi ne, %convert_element_type3A, %cond3A : i32
      scf.if %cond3A_112 {
        %dma_start3A_184 = arith.constant 0 : i32
        %dma_start3A_185 = tpu.memref_slice %arg2[%select_n3A_94, %dma_start3A_184] : memref<26x16384xi32, #tpu.memory_space<hbm>> -> memref<1x16384xi32, #tpu.memory_space<hbm>>
        %dma_start3A_186 = tpu.memref_squeeze %dma_start3A_185 : memref<1x16384xi32, #tpu.memory_space<hbm>> -> memref<16384xi32, #tpu.memory_space<hbm>>
        %dma_start3A_187 = arith.constant 0 : i32
        %dma_start3A_188 = tpu.memref_slice %arg2[%select_n3A_94, %dma_start3A_187] : memref<26x16384xi32, #tpu.memory_space<hbm>> -> memref<1x16384xi32, #tpu.memory_space<hbm>>
        %dma_start3A_189 = tpu.memref_squeeze %dma_start3A_188 : memref<1x16384xi32, #tpu.memory_space<hbm>> -> memref<16384xi32, #tpu.memory_space<hbm>>
        tpu.enqueue_dma source(%dma_start3A_189 : memref<16384xi32, #tpu.memory_space<hbm>>) target(%arg6 : memref<16384xi32, #tpu.memory_space<vmem>>) target_semaphore(%arg11 : memref<!tpu.dma_semaphore, #tpu.memory_space<semaphore_mem>>)
      } else {
      }
      "tpu.region"() ({
        %run_scoped3A = tpu.sem_alloc : memref<!tpu.dma_semaphore, #tpu.memory_space<semaphore_mem>>
        %dma_start3A_184 = arith.constant 0 : i32
        %dma_start3A_185 = tpu.memref_slice %arg3[%select_n3A_94, %select_n3A_110, %dma_start3A_184] : memref<26x32x100000xf32, #tpu.memory_space<hbm>> -> memref<1x1x100000xf32, #tpu.memory_space<hbm>>
        %dma_start3A_186 = tpu.memref_squeeze %dma_start3A_185 : memref<1x1x100000xf32, #tpu.memory_space<hbm>> -> memref<100000xf32, #tpu.memory_space<hbm>>
        %dma_start3A_187 = arith.constant 0 : i32
        %dma_start3A_188 = tpu.memref_slice %arg3[%select_n3A_94, %select_n3A_110, %dma_start3A_187] : memref<26x32x100000xf32, #tpu.memory_space<hbm>> -> memref<1x1x100000xf32, #tpu.memory_space<hbm>>
        %dma_start3A_189 = tpu.memref_squeeze %dma_start3A_188 : memref<1x1x100000xf32, #tpu.memory_space<hbm>> -> memref<100000xf32, #tpu.memory_space<hbm>>
        tpu.enqueue_dma source(%dma_start3A_189 : memref<100000xf32, #tpu.memory_space<hbm>>) target(%arg5 : memref<100000xf32, #tpu.memory_space<vmem>>) target_semaphore(%run_scoped3A : memref<!tpu.dma_semaphore, #tpu.memory_space<semaphore_mem>>)
        %dma_wait3A_190 = arith.constant 0 : i32
        %dma_wait3A_191 = tpu.memref_slice %arg3[%select_n3A_94, %select_n3A_110, %dma_wait3A_190] : memref<26x32x100000xf32, #tpu.memory_space<hbm>> -> memref<1x1x100000xf32, #tpu.memory_space<hbm>>
        %dma_wait3A_192 = tpu.memref_squeeze %dma_wait3A_191 : memref<1x1x100000xf32, #tpu.memory_space<hbm>> -> memref<100000xf32, #tpu.memory_space<hbm>>
        %dma_wait3A_193 = arith.constant 0 : i32
        %dma_wait3A_194 = tpu.memref_slice %arg3[%select_n3A_94, %select_n3A_110, %dma_wait3A_193] : memref<26x32x100000xf32, #tpu.memory_space<hbm>> -> memref<1x1x100000xf32, #tpu.memory_space<hbm>>
        %dma_wait3A_195 = tpu.memref_squeeze %dma_wait3A_194 : memref<1x1x100000xf32, #tpu.memory_space<hbm>> -> memref<100000xf32, #tpu.memory_space<hbm>>
        tpu.wait_dma2 semaphore(%run_scoped3A : memref<!tpu.dma_semaphore, #tpu.memory_space<semaphore_mem>>) src(%dma_wait3A_195 : memref<100000xf32, #tpu.memory_space<hbm>>) dst(%arg5 : memref<100000xf32, #tpu.memory_space<vmem>>)
        tpu.yield
      }) : () -> ()
      %convert_element_type3A_113 = arith.extui %ne3A_111 : i1 to i32
      %cond3A_114 = arith.constant 0 : i32
      %cond3A_115 = arith.cmpi ne, %convert_element_type3A_113, %cond3A_114 : i32
      scf.if %cond3A_115 {
        %dma_wait3A_184 = arith.constant 0 : i32
        %dma_wait3A_185 = tpu.memref_slice %arg2[%select_n3A_94, %dma_wait3A_184] : memref<26x16384xi32, #tpu.memory_space<hbm>> -> memref<1x16384xi32, #tpu.memory_space<hbm>>
        %dma_wait3A_186 = tpu.memref_squeeze %dma_wait3A_185 : memref<1x16384xi32, #tpu.memory_space<hbm>> -> memref<16384xi32, #tpu.memory_space<hbm>>
        %dma_wait3A_187 = arith.constant 0 : i32
        %dma_wait3A_188 = tpu.memref_slice %arg2[%select_n3A_94, %dma_wait3A_187] : memref<26x16384xi32, #tpu.memory_space<hbm>> -> memref<1x16384xi32, #tpu.memory_space<hbm>>
        %dma_wait3A_189 = tpu.memref_squeeze %dma_wait3A_188 : memref<1x16384xi32, #tpu.memory_space<hbm>> -> memref<16384xi32, #tpu.memory_space<hbm>>
        tpu.wait_dma2 semaphore(%arg11 : memref<!tpu.dma_semaphore, #tpu.memory_space<semaphore_mem>>) src(%dma_wait3A_189 : memref<16384xi32, #tpu.memory_space<hbm>>) dst(%arg6 : memref<16384xi32, #tpu.memory_space<vmem>>)
      } else {
      }
      %gt3A = arith.constant 0 : i32
      %gt3A_116 = arith.cmpi sgt, %scan3A_54, %gt3A : i32
      %convert_element_type3A_117 = arith.extui %gt3A_116 : i1 to i32
      %cond3A_118 = arith.constant 0 : i32
      %cond3A_119 = arith.cmpi ne, %convert_element_type3A_117, %cond3A_118 : i32
      scf.if %cond3A_119 {
        %dma_wait3A_184 = arith.constant 8192 : i32
        %dma_wait3A_185 = tpu.memref_slice %arg4[%select_n3A_94, %select_n3A_110, %dma_wait3A_184] : memref<26x32x16384xf32, #tpu.memory_space<hbm>> -> memref<1x1x4096xf32, #tpu.memory_space<hbm>>
        %dma_wait3A_186 = tpu.memref_squeeze %dma_wait3A_185 : memref<1x1x4096xf32, #tpu.memory_space<hbm>> -> memref<4096xf32, #tpu.memory_space<hbm>>
        %dma_wait3A_187 = arith.constant 8192 : i32
        %dma_wait3A_188 = tpu.memref_slice %arg4[%select_n3A_94, %select_n3A_110, %dma_wait3A_187] : memref<26x32x16384xf32, #tpu.memory_space<hbm>> -> memref<1x1x4096xf32, #tpu.memory_space<hbm>>
        %dma_wait3A_189 = tpu.memref_squeeze %dma_wait3A_188 : memref<1x1x4096xf32, #tpu.memory_space<hbm>> -> memref<4096xf32, #tpu.memory_space<hbm>>
        tpu.wait_dma2 semaphore(%arg9 : memref<!tpu.dma_semaphore, #tpu.memory_space<semaphore_mem>>) src(%arg7 : memref<4096xf32, #tpu.memory_space<vmem>>) dst(%dma_wait3A_189 : memref<4096xf32, #tpu.memory_space<hbm>>)
      } else {
      }
      %scan3A_120 = arith.constant 0 : i32
      %scan3A_121 = arith.constant 0 : i32
      %scan3A_122 = arith.constant 16 : i32
      %scan3A_123 = arith.addi %scan3A_121, %scan3A_122 : i32
      %scan3A_124 = arith.constant 1 : i32
      scf.for %scan3A_184 = %scan3A_121 to %scan3A_123 step %scan3A_124  : i32 {
        %mul3A_185 = arith.constant 16 : i32
        %mul3A_186 = arith.muli %scan3A_184, %mul3A_185 : i32
        %add3A_187 = arith.constant 0 : i32
        %add3A_188 = arith.addi %mul3A_186, %add3A_187 : i32
        %mul3A_189 = arith.constant 16 : i32
        %mul3A_190 = arith.muli %add3A_188, %mul3A_189 : i32
        %add3A_191 = arith.constant 0 : i32
        %add3A_192 = arith.addi %add3A_191, %mul3A_190 : i32
        %get3A = arith.index_cast %add3A_192 : i32 to index
        %get3A_193 = tpu.vector_load %arg6[%get3A] {strides = array<i32>} : memref<16384xi32, #tpu.memory_space<vmem>>, vector<16xi32>,
        %gather3A = tpu.vector_load_idx %arg5[%get3A_193] : memref<100000xf32, #tpu.memory_space<vmem>>[vector<16xi32>], vector<16xf32>,
        %swap3A = arith.index_cast %mul3A_190 : i32 to index
        %swap3A_194 = tpu.vector_load %arg7[%swap3A] {strides = array<i32>} : memref<4096xf32, #tpu.memory_space<vmem>>, vector<16xf32>,
        tpu.vector_store %arg7[%swap3A], %gather3A {strides = array<i32>} : memref<4096xf32, #tpu.memory_space<vmem>>, vector<16xf32>,
        %mul3A_195 = arith.constant 16 : i32
        %mul3A_196 = arith.muli %scan3A_184, %mul3A_195 : i32
        %add3A_197 = arith.constant 1 : i32
        %add3A_198 = arith.addi %mul3A_196, %add3A_197 : i32
        %mul3A_199 = arith.constant 16 : i32
        %mul3A_200 = arith.muli %add3A_198, %mul3A_199 : i32
        %add3A_201 = arith.constant 0 : i32
        %add3A_202 = arith.addi %add3A_201, %mul3A_200 : i32
        %get3A_203 = arith.index_cast %add3A_202 : i32 to index
        %get3A_204 = tpu.vector_load %arg6[%get3A_203] {strides = array<i32>} : memref<16384xi32, #tpu.memory_space<vmem>>, vector<16xi32>,
        %gather3A_205 = tpu.vector_load_idx %arg5[%get3A_204] : memref<100000xf32, #tpu.memory_space<vmem>>[vector<16xi32>], vector<16xf32>,
        %swap3A_206 = arith.index_cast %mul3A_200 : i32 to index
        %swap3A_207 = tpu.vector_load %arg7[%swap3A_206] {strides = array<i32>} : memref<4096xf32, #tpu.memory_space<vmem>>, vector<16xf32>,
        tpu.vector_store %arg7[%swap3A_206], %gather3A_205 {strides = array<i32>} : memref<4096xf32, #tpu.memory_space<vmem>>, vector<16xf32>,
        %mul3A_208 = arith.constant 16 : i32
        %mul3A_209 = arith.muli %scan3A_184, %mul3A_208 : i32
        %add3A_210 = arith.constant 2 : i32
        %add3A_211 = arith.addi %mul3A_209, %add3A_210 : i32
        %mul3A_212 = arith.constant 16 : i32
        %mul3A_213 = arith.muli %add3A_211, %mul3A_212 : i32
        %add3A_214 = arith.constant 0 : i32
        %add3A_215 = arith.addi %add3A_214, %mul3A_213 : i32
        %get3A_216 = arith.index_cast %add3A_215 : i32 to index
        %get3A_217 = tpu.vector_load %arg6[%get3A_216] {strides = array<i32>} : memref<16384xi32, #tpu.memory_space<vmem>>, vector<16xi32>,
        %gather3A_218 = tpu.vector_load_idx %arg5[%get3A_217] : memref<100000xf32, #tpu.memory_space<vmem>>[vector<16xi32>], vector<16xf32>,
        %swap3A_219 = arith.index_cast %mul3A_213 : i32 to index
        %swap3A_220 = tpu.vector_load %arg7[%swap3A_219] {strides = array<i32>} : memref<4096xf32, #tpu.memory_space<vmem>>, vector<16xf32>,
        tpu.vector_store %arg7[%swap3A_219], %gather3A_218 {strides = array<i32>} : memref<4096xf32, #tpu.memory_space<vmem>>, vector<16xf32>,
        %mul3A_221 = arith.constant 16 : i32
        %mul3A_222 = arith.muli %scan3A_184, %mul3A_221 : i32
        %add3A_223 = arith.constant 3 : i32
        %add3A_224 = arith.addi %mul3A_222, %add3A_223 : i32
        %mul3A_225 = arith.constant 16 : i32
        %mul3A_226 = arith.muli %add3A_224, %mul3A_225 : i32
        %add3A_227 = arith.constant 0 : i32
        %add3A_228 = arith.addi %add3A_227, %mul3A_226 : i32
        %get3A_229 = arith.index_cast %add3A_228 : i32 to index
        %get3A_230 = tpu.vector_load %arg6[%get3A_229] {strides = array<i32>} : memref<16384xi32, #tpu.memory_space<vmem>>, vector<16xi32>,
        %gather3A_231 = tpu.vector_load_idx %arg5[%get3A_230] : memref<100000xf32, #tpu.memory_space<vmem>>[vector<16xi32>], vector<16xf32>,
        %swap3A_232 = arith.index_cast %mul3A_226 : i32 to index
        %swap3A_233 = tpu.vector_load %arg7[%swap3A_232] {strides = array<i32>} : memref<4096xf32, #tpu.memory_space<vmem>>, vector<16xf32>,
        tpu.vector_store %arg7[%swap3A_232], %gather3A_231 {strides = array<i32>} : memref<4096xf32, #tpu.memory_space<vmem>>, vector<16xf32>,
        %mul3A_234 = arith.constant 16 : i32
        %mul3A_235 = arith.muli %scan3A_184, %mul3A_234 : i32
        %add3A_236 = arith.constant 4 : i32
        %add3A_237 = arith.addi %mul3A_235, %add3A_236 : i32
        %mul3A_238 = arith.constant 16 : i32
        %mul3A_239 = arith.muli %add3A_237, %mul3A_238 : i32
        %add3A_240 = arith.constant 0 : i32
        %add3A_241 = arith.addi %add3A_240, %mul3A_239 : i32
        %get3A_242 = arith.index_cast %add3A_241 : i32 to index
        %get3A_243 = tpu.vector_load %arg6[%get3A_242] {strides = array<i32>} : memref<16384xi32, #tpu.memory_space<vmem>>, vector<16xi32>,
        %gather3A_244 = tpu.vector_load_idx %arg5[%get3A_243] : memref<100000xf32, #tpu.memory_space<vmem>>[vector<16xi32>], vector<16xf32>,
        %swap3A_245 = arith.index_cast %mul3A_239 : i32 to index
        %swap3A_246 = tpu.vector_load %arg7[%swap3A_245] {strides = array<i32>} : memref<4096xf32, #tpu.memory_space<vmem>>, vector<16xf32>,
        tpu.vector_store %arg7[%swap3A_245], %gather3A_244 {strides = array<i32>} : memref<4096xf32, #tpu.memory_space<vmem>>, vector<16xf32>,
        %mul3A_247 = arith.constant 16 : i32
        %mul3A_248 = arith.muli %scan3A_184, %mul3A_247 : i32
        %add3A_249 = arith.constant 5 : i32
        %add3A_250 = arith.addi %mul3A_248, %add3A_249 : i32
        %mul3A_251 = arith.constant 16 : i32
        %mul3A_252 = arith.muli %add3A_250, %mul3A_251 : i32
        %add3A_253 = arith.constant 0 : i32
        %add3A_254 = arith.addi %add3A_253, %mul3A_252 : i32
        %get3A_255 = arith.index_cast %add3A_254 : i32 to index
        %get3A_256 = tpu.vector_load %arg6[%get3A_255] {strides = array<i32>} : memref<16384xi32, #tpu.memory_space<vmem>>, vector<16xi32>,
        %gather3A_257 = tpu.vector_load_idx %arg5[%get3A_256] : memref<100000xf32, #tpu.memory_space<vmem>>[vector<16xi32>], vector<16xf32>,
        %swap3A_258 = arith.index_cast %mul3A_252 : i32 to index
        %swap3A_259 = tpu.vector_load %arg7[%swap3A_258] {strides = array<i32>} : memref<4096xf32, #tpu.memory_space<vmem>>, vector<16xf32>,
        tpu.vector_store %arg7[%swap3A_258], %gather3A_257 {strides = array<i32>} : memref<4096xf32, #tpu.memory_space<vmem>>, vector<16xf32>,
        %mul3A_260 = arith.constant 16 : i32
        %mul3A_261 = arith.muli %scan3A_184, %mul3A_260 : i32
        %add3A_262 = arith.constant 6 : i32
        %add3A_263 = arith.addi %mul3A_261, %add3A_262 : i32
        %mul3A_264 = arith.constant 16 : i32
        %mul3A_265 = arith.muli %add3A_263, %mul3A_264 : i32
        %add3A_266 = arith.constant 0 : i32
        %add3A_267 = arith.addi %add3A_266, %mul3A_265 : i32
        %get3A_268 = arith.index_cast %add3A_267 : i32 to index
        %get3A_269 = tpu.vector_load %arg6[%get3A_268] {strides = array<i32>} : memref<16384xi32, #tpu.memory_space<vmem>>, vector<16xi32>,
        %gather3A_270 = tpu.vector_load_idx %arg5[%get3A_269] : memref<100000xf32, #tpu.memory_space<vmem>>[vector<16xi32>], vector<16xf32>,
        %swap3A_271 = arith.index_cast %mul3A_265 : i32 to index
        %swap3A_272 = tpu.vector_load %arg7[%swap3A_271] {strides = array<i32>} : memref<4096xf32, #tpu.memory_space<vmem>>, vector<16xf32>,
        tpu.vector_store %arg7[%swap3A_271], %gather3A_270 {strides = array<i32>} : memref<4096xf32, #tpu.memory_space<vmem>>, vector<16xf32>,
        %mul3A_273 = arith.constant 16 : i32
        %mul3A_274 = arith.muli %scan3A_184, %mul3A_273 : i32
        %add3A_275 = arith.constant 7 : i32
        %add3A_276 = arith.addi %mul3A_274, %add3A_275 : i32
        %mul3A_277 = arith.constant 16 : i32
        %mul3A_278 = arith.muli %add3A_276, %mul3A_277 : i32
        %add3A_279 = arith.constant 0 : i32
        %add3A_280 = arith.addi %add3A_279, %mul3A_278 : i32
        %get3A_281 = arith.index_cast %add3A_280 : i32 to index
        %get3A_282 = tpu.vector_load %arg6[%get3A_281] {strides = array<i32>} : memref<16384xi32, #tpu.memory_space<vmem>>, vector<16xi32>,
        %gather3A_283 = tpu.vector_load_idx %arg5[%get3A_282] : memref<100000xf32, #tpu.memory_space<vmem>>[vector<16xi32>], vector<16xf32>,
        %swap3A_284 = arith.index_cast %mul3A_278 : i32 to index
        %swap3A_285 = tpu.vector_load %arg7[%swap3A_284] {strides = array<i32>} : memref<4096xf32, #tpu.memory_space<vmem>>, vector<16xf32>,
        tpu.vector_store %arg7[%swap3A_284], %gather3A_283 {strides = array<i32>} : memref<4096xf32, #tpu.memory_space<vmem>>, vector<16xf32>,
        %mul3A_286 = arith.constant 16 : i32
        %mul3A_287 = arith.muli %scan3A_184, %mul3A_286 : i32
        %add3A_288 = arith.constant 8 : i32
        %add3A_289 = arith.addi %mul3A_287, %add3A_288 : i32
        %mul3A_290 = arith.constant 16 : i32
        %mul3A_291 = arith.muli %add3A_289, %mul3A_290 : i32
        %add3A_292 = arith.constant 0 : i32
        %add3A_293 = arith.addi %add3A_292, %mul3A_291 : i32
        %get3A_294 = arith.index_cast %add3A_293 : i32 to index
        %get3A_295 = tpu.vector_load %arg6[%get3A_294] {strides = array<i32>} : memref<16384xi32, #tpu.memory_space<vmem>>, vector<16xi32>,
        %gather3A_296 = tpu.vector_load_idx %arg5[%get3A_295] : memref<100000xf32, #tpu.memory_space<vmem>>[vector<16xi32>], vector<16xf32>,
        %swap3A_297 = arith.index_cast %mul3A_291 : i32 to index
        %swap3A_298 = tpu.vector_load %arg7[%swap3A_297] {strides = array<i32>} : memref<4096xf32, #tpu.memory_space<vmem>>, vector<16xf32>,
        tpu.vector_store %arg7[%swap3A_297], %gather3A_296 {strides = array<i32>} : memref<4096xf32, #tpu.memory_space<vmem>>, vector<16xf32>,
        %mul3A_299 = arith.constant 16 : i32
        %mul3A_300 = arith.muli %scan3A_184, %mul3A_299 : i32
        %add3A_301 = arith.constant 9 : i32
        %add3A_302 = arith.addi %mul3A_300, %add3A_301 : i32
        %mul3A_303 = arith.constant 16 : i32
        %mul3A_304 = arith.muli %add3A_302, %mul3A_303 : i32
        %add3A_305 = arith.constant 0 : i32
        %add3A_306 = arith.addi %add3A_305, %mul3A_304 : i32
        %get3A_307 = arith.index_cast %add3A_306 : i32 to index
        %get3A_308 = tpu.vector_load %arg6[%get3A_307] {strides = array<i32>} : memref<16384xi32, #tpu.memory_space<vmem>>, vector<16xi32>,
        %gather3A_309 = tpu.vector_load_idx %arg5[%get3A_308] : memref<100000xf32, #tpu.memory_space<vmem>>[vector<16xi32>], vector<16xf32>,
        %swap3A_310 = arith.index_cast %mul3A_304 : i32 to index
        %swap3A_311 = tpu.vector_load %arg7[%swap3A_310] {strides = array<i32>} : memref<4096xf32, #tpu.memory_space<vmem>>, vector<16xf32>,
        tpu.vector_store %arg7[%swap3A_310], %gather3A_309 {strides = array<i32>} : memref<4096xf32, #tpu.memory_space<vmem>>, vector<16xf32>,
        %mul3A_312 = arith.constant 16 : i32
        %mul3A_313 = arith.muli %scan3A_184, %mul3A_312 : i32
        %add3A_314 = arith.constant 10 : i32
        %add3A_315 = arith.addi %mul3A_313, %add3A_314 : i32
        %mul3A_316 = arith.constant 16 : i32
        %mul3A_317 = arith.muli %add3A_315, %mul3A_316 : i32
        %add3A_318 = arith.constant 0 : i32
        %add3A_319 = arith.addi %add3A_318, %mul3A_317 : i32
        %get3A_320 = arith.index_cast %add3A_319 : i32 to index
        %get3A_321 = tpu.vector_load %arg6[%get3A_320] {strides = array<i32>} : memref<16384xi32, #tpu.memory_space<vmem>>, vector<16xi32>,
        %gather3A_322 = tpu.vector_load_idx %arg5[%get3A_321] : memref<100000xf32, #tpu.memory_space<vmem>>[vector<16xi32>], vector<16xf32>,
        %swap3A_323 = arith.index_cast %mul3A_317 : i32 to index
        %swap3A_324 = tpu.vector_load %arg7[%swap3A_323] {strides = array<i32>} : memref<4096xf32, #tpu.memory_space<vmem>>, vector<16xf32>,
        tpu.vector_store %arg7[%swap3A_323], %gather3A_322 {strides = array<i32>} : memref<4096xf32, #tpu.memory_space<vmem>>, vector<16xf32>,
        %mul3A_325 = arith.constant 16 : i32
        %mul3A_326 = arith.muli %scan3A_184, %mul3A_325 : i32
        %add3A_327 = arith.constant 11 : i32
        %add3A_328 = arith.addi %mul3A_326, %add3A_327 : i32
        %mul3A_329 = arith.constant 16 : i32
        %mul3A_330 = arith.muli %add3A_328, %mul3A_329 : i32
        %add3A_331 = arith.constant 0 : i32
        %add3A_332 = arith.addi %add3A_331, %mul3A_330 : i32
        %get3A_333 = arith.index_cast %add3A_332 : i32 to index
        %get3A_334 = tpu.vector_load %arg6[%get3A_333] {strides = array<i32>} : memref<16384xi32, #tpu.memory_space<vmem>>, vector<16xi32>,
        %gather3A_335 = tpu.vector_load_idx %arg5[%get3A_334] : memref<100000xf32, #tpu.memory_space<vmem>>[vector<16xi32>], vector<16xf32>,
        %swap3A_336 = arith.index_cast %mul3A_330 : i32 to index
        %swap3A_337 = tpu.vector_load %arg7[%swap3A_336] {strides = array<i32>} : memref<4096xf32, #tpu.memory_space<vmem>>, vector<16xf32>,
        tpu.vector_store %arg7[%swap3A_336], %gather3A_335 {strides = array<i32>} : memref<4096xf32, #tpu.memory_space<vmem>>, vector<16xf32>,
        %mul3A_338 = arith.constant 16 : i32
        %mul3A_339 = arith.muli %scan3A_184, %mul3A_338 : i32
        %add3A_340 = arith.constant 12 : i32
        %add3A_341 = arith.addi %mul3A_339, %add3A_340 : i32
        %mul3A_342 = arith.constant 16 : i32
        %mul3A_343 = arith.muli %add3A_341, %mul3A_342 : i32
        %add3A_344 = arith.constant 0 : i32
        %add3A_345 = arith.addi %add3A_344, %mul3A_343 : i32
        %get3A_346 = arith.index_cast %add3A_345 : i32 to index
        %get3A_347 = tpu.vector_load %arg6[%get3A_346] {strides = array<i32>} : memref<16384xi32, #tpu.memory_space<vmem>>, vector<16xi32>,
        %gather3A_348 = tpu.vector_load_idx %arg5[%get3A_347] : memref<100000xf32, #tpu.memory_space<vmem>>[vector<16xi32>], vector<16xf32>,
        %swap3A_349 = arith.index_cast %mul3A_343 : i32 to index
        %swap3A_350 = tpu.vector_load %arg7[%swap3A_349] {strides = array<i32>} : memref<4096xf32, #tpu.memory_space<vmem>>, vector<16xf32>,
        tpu.vector_store %arg7[%swap3A_349], %gather3A_348 {strides = array<i32>} : memref<4096xf32, #tpu.memory_space<vmem>>, vector<16xf32>,
        %mul3A_351 = arith.constant 16 : i32
        %mul3A_352 = arith.muli %scan3A_184, %mul3A_351 : i32
        %add3A_353 = arith.constant 13 : i32
        %add3A_354 = arith.addi %mul3A_352, %add3A_353 : i32
        %mul3A_355 = arith.constant 16 : i32
        %mul3A_356 = arith.muli %add3A_354, %mul3A_355 : i32
        %add3A_357 = arith.constant 0 : i32
        %add3A_358 = arith.addi %add3A_357, %mul3A_356 : i32
        %get3A_359 = arith.index_cast %add3A_358 : i32 to index
        %get3A_360 = tpu.vector_load %arg6[%get3A_359] {strides = array<i32>} : memref<16384xi32, #tpu.memory_space<vmem>>, vector<16xi32>,
        %gather3A_361 = tpu.vector_load_idx %arg5[%get3A_360] : memref<100000xf32, #tpu.memory_space<vmem>>[vector<16xi32>], vector<16xf32>,
        %swap3A_362 = arith.index_cast %mul3A_356 : i32 to index
        %swap3A_363 = tpu.vector_load %arg7[%swap3A_362] {strides = array<i32>} : memref<4096xf32, #tpu.memory_space<vmem>>, vector<16xf32>,
        tpu.vector_store %arg7[%swap3A_362], %gather3A_361 {strides = array<i32>} : memref<4096xf32, #tpu.memory_space<vmem>>, vector<16xf32>,
        %mul3A_364 = arith.constant 16 : i32
        %mul3A_365 = arith.muli %scan3A_184, %mul3A_364 : i32
        %add3A_366 = arith.constant 14 : i32
        %add3A_367 = arith.addi %mul3A_365, %add3A_366 : i32
        %mul3A_368 = arith.constant 16 : i32
        %mul3A_369 = arith.muli %add3A_367, %mul3A_368 : i32
        %add3A_370 = arith.constant 0 : i32
        %add3A_371 = arith.addi %add3A_370, %mul3A_369 : i32
        %get3A_372 = arith.index_cast %add3A_371 : i32 to index
        %get3A_373 = tpu.vector_load %arg6[%get3A_372] {strides = array<i32>} : memref<16384xi32, #tpu.memory_space<vmem>>, vector<16xi32>,
        %gather3A_374 = tpu.vector_load_idx %arg5[%get3A_373] : memref<100000xf32, #tpu.memory_space<vmem>>[vector<16xi32>], vector<16xf32>,
        %swap3A_375 = arith.index_cast %mul3A_369 : i32 to index
        %swap3A_376 = tpu.vector_load %arg7[%swap3A_375] {strides = array<i32>} : memref<4096xf32, #tpu.memory_space<vmem>>, vector<16xf32>,
        tpu.vector_store %arg7[%swap3A_375], %gather3A_374 {strides = array<i32>} : memref<4096xf32, #tpu.memory_space<vmem>>, vector<16xf32>,
        %mul3A_377 = arith.constant 16 : i32
        %mul3A_378 = arith.muli %scan3A_184, %mul3A_377 : i32
        %add3A_379 = arith.constant 15 : i32
        %add3A_380 = arith.addi %mul3A_378, %add3A_379 : i32
        %mul3A_381 = arith.constant 16 : i32
        %mul3A_382 = arith.muli %add3A_380, %mul3A_381 : i32
        %add3A_383 = arith.constant 0 : i32
        %add3A_384 = arith.addi %add3A_383, %mul3A_382 : i32
        %get3A_385 = arith.index_cast %add3A_384 : i32 to index
        %get3A_386 = tpu.vector_load %arg6[%get3A_385] {strides = array<i32>} : memref<16384xi32, #tpu.memory_space<vmem>>, vector<16xi32>,
        %gather3A_387 = tpu.vector_load_idx %arg5[%get3A_386] : memref<100000xf32, #tpu.memory_space<vmem>>[vector<16xi32>], vector<16xf32>,
        %swap3A_388 = arith.index_cast %mul3A_382 : i32 to index
        %swap3A_389 = tpu.vector_load %arg7[%swap3A_388] {strides = array<i32>} : memref<4096xf32, #tpu.memory_space<vmem>>, vector<16xf32>,
        tpu.vector_store %arg7[%swap3A_388], %gather3A_387 {strides = array<i32>} : memref<4096xf32, #tpu.memory_space<vmem>>, vector<16xf32>,
      }
      %scan3A_125 = arith.constant 16 : i32
      %dma_start3A = arith.constant 0 : i32
      %dma_start3A_126 = tpu.memref_slice %arg4[%select_n3A_94, %select_n3A_110, %dma_start3A] : memref<26x32x16384xf32, #tpu.memory_space<hbm>> -> memref<1x1x4096xf32, #tpu.memory_space<hbm>>
      %dma_start3A_127 = tpu.memref_squeeze %dma_start3A_126 : memref<1x1x4096xf32, #tpu.memory_space<hbm>> -> memref<4096xf32, #tpu.memory_space<hbm>>
      %dma_start3A_128 = arith.constant 0 : i32
      %dma_start3A_129 = tpu.memref_slice %arg4[%select_n3A_94, %select_n3A_110, %dma_start3A_128] : memref<26x32x16384xf32, #tpu.memory_space<hbm>> -> memref<1x1x4096xf32, #tpu.memory_space<hbm>>
      %dma_start3A_130 = tpu.memref_squeeze %dma_start3A_129 : memref<1x1x4096xf32, #tpu.memory_space<hbm>> -> memref<4096xf32, #tpu.memory_space<hbm>>
      tpu.enqueue_dma source(%arg7 : memref<4096xf32, #tpu.memory_space<vmem>>) target(%dma_start3A_130 : memref<4096xf32, #tpu.memory_space<hbm>>) target_semaphore(%arg9 : memref<!tpu.dma_semaphore, #tpu.memory_space<semaphore_mem>>)
      %gt3A_131 = arith.constant 0 : i32
      %gt3A_132 = arith.cmpi sgt, %scan3A_54, %gt3A_131 : i32
      %convert_element_type3A_133 = arith.extui %gt3A_132 : i1 to i32
      %cond3A_134 = arith.constant 0 : i32
      %cond3A_135 = arith.cmpi ne, %convert_element_type3A_133, %cond3A_134 : i32
      scf.if %cond3A_135 {
        %dma_wait3A_184 = arith.constant 12288 : i32
        %dma_wait3A_185 = tpu.memref_slice %arg4[%select_n3A_94, %select_n3A_110, %dma_wait3A_184] : memref<26x32x16384xf32, #tpu.memory_space<hbm>> -> memref<1x1x4096xf32, #tpu.memory_space<hbm>>
        %dma_wait3A_186 = tpu.memref_squeeze %dma_wait3A_185 : memref<1x1x4096xf32, #tpu.memory_space<hbm>> -> memref<4096xf32, #tpu.memory_space<hbm>>
        %dma_wait3A_187 = arith.constant 12288 : i32
        %dma_wait3A_188 = tpu.memref_slice %arg4[%select_n3A_94, %select_n3A_110, %dma_wait3A_187] : memref<26x32x16384xf32, #tpu.memory_space<hbm>> -> memref<1x1x4096xf32, #tpu.memory_space<hbm>>
        %dma_wait3A_189 = tpu.memref_squeeze %dma_wait3A_188 : memref<1x1x4096xf32, #tpu.memory_space<hbm>> -> memref<4096xf32, #tpu.memory_space<hbm>>
        tpu.wait_dma2 semaphore(%arg10 : memref<!tpu.dma_semaphore, #tpu.memory_space<semaphore_mem>>) src(%arg8 : memref<4096xf32, #tpu.memory_space<vmem>>) dst(%dma_wait3A_189 : memref<4096xf32, #tpu.memory_space<hbm>>)
      } else {
      }
      %scan3A_136 = arith.constant 0 : i32
      %scan3A_137 = arith.constant 0 : i32
      %scan3A_138 = arith.constant 16 : i32
      %scan3A_139 = arith.addi %scan3A_137, %scan3A_138 : i32
      %scan3A_140 = arith.constant 1 : i32
      scf.for %scan3A_184 = %scan3A_137 to %scan3A_139 step %scan3A_140  : i32 {
        %mul3A_185 = arith.constant 16 : i32
        %mul3A_186 = arith.muli %scan3A_184, %mul3A_185 : i32
        %add3A_187 = arith.constant 0 : i32
        %add3A_188 = arith.addi %mul3A_186, %add3A_187 : i32
        %mul3A_189 = arith.constant 16 : i32
        %mul3A_190 = arith.muli %add3A_188, %mul3A_189 : i32
        %add3A_191 = arith.constant 4096 : i32
        %add3A_192 = arith.addi %add3A_191, %mul3A_190 : i32
        %get3A = arith.index_cast %add3A_192 : i32 to index
        %get3A_193 = tpu.vector_load %arg6[%get3A] {strides = array<i32>} : memref<16384xi32, #tpu.memory_space<vmem>>, vector<16xi32>,
        %gather3A = tpu.vector_load_idx %arg5[%get3A_193] : memref<100000xf32, #tpu.memory_space<vmem>>[vector<16xi32>], vector<16xf32>,
        %swap3A = arith.index_cast %mul3A_190 : i32 to index
        %swap3A_194 = tpu.vector_load %arg8[%swap3A] {strides = array<i32>} : memref<4096xf32, #tpu.memory_space<vmem>>, vector<16xf32>,
        tpu.vector_store %arg8[%swap3A], %gather3A {strides = array<i32>} : memref<4096xf32, #tpu.memory_space<vmem>>, vector<16xf32>,
        %mul3A_195 = arith.constant 16 : i32
        %mul3A_196 = arith.muli %scan3A_184, %mul3A_195 : i32
        %add3A_197 = arith.constant 1 : i32
        %add3A_198 = arith.addi %mul3A_196, %add3A_197 : i32
        %mul3A_199 = arith.constant 16 : i32
        %mul3A_200 = arith.muli %add3A_198, %mul3A_199 : i32
        %add3A_201 = arith.constant 4096 : i32
        %add3A_202 = arith.addi %add3A_201, %mul3A_200 : i32
        %get3A_203 = arith.index_cast %add3A_202 : i32 to index
        %get3A_204 = tpu.vector_load %arg6[%get3A_203] {strides = array<i32>} : memref<16384xi32, #tpu.memory_space<vmem>>, vector<16xi32>,
        %gather3A_205 = tpu.vector_load_idx %arg5[%get3A_204] : memref<100000xf32, #tpu.memory_space<vmem>>[vector<16xi32>], vector<16xf32>,
        %swap3A_206 = arith.index_cast %mul3A_200 : i32 to index
        %swap3A_207 = tpu.vector_load %arg8[%swap3A_206] {strides = array<i32>} : memref<4096xf32, #tpu.memory_space<vmem>>, vector<16xf32>,
        tpu.vector_store %arg8[%swap3A_206], %gather3A_205 {strides = array<i32>} : memref<4096xf32, #tpu.memory_space<vmem>>, vector<16xf32>,
        %mul3A_208 = arith.constant 16 : i32
        %mul3A_209 = arith.muli %scan3A_184, %mul3A_208 : i32
        %add3A_210 = arith.constant 2 : i32
        %add3A_211 = arith.addi %mul3A_209, %add3A_210 : i32
        %mul3A_212 = arith.constant 16 : i32
        %mul3A_213 = arith.muli %add3A_211, %mul3A_212 : i32
        %add3A_214 = arith.constant 4096 : i32
        %add3A_215 = arith.addi %add3A_214, %mul3A_213 : i32
        %get3A_216 = arith.index_cast %add3A_215 : i32 to index
        %get3A_217 = tpu.vector_load %arg6[%get3A_216] {strides = array<i32>} : memref<16384xi32, #tpu.memory_space<vmem>>, vector<16xi32>,
        %gather3A_218 = tpu.vector_load_idx %arg5[%get3A_217] : memref<100000xf32, #tpu.memory_space<vmem>>[vector<16xi32>], vector<16xf32>,
        %swap3A_219 = arith.index_cast %mul3A_213 : i32 to index
        %swap3A_220 = tpu.vector_load %arg8[%swap3A_219] {strides = array<i32>} : memref<4096xf32, #tpu.memory_space<vmem>>, vector<16xf32>,
        tpu.vector_store %arg8[%swap3A_219], %gather3A_218 {strides = array<i32>} : memref<4096xf32, #tpu.memory_space<vmem>>, vector<16xf32>,
        %mul3A_221 = arith.constant 16 : i32
        %mul3A_222 = arith.muli %scan3A_184, %mul3A_221 : i32
        %add3A_223 = arith.constant 3 : i32
        %add3A_224 = arith.addi %mul3A_222, %add3A_223 : i32
        %mul3A_225 = arith.constant 16 : i32
        %mul3A_226 = arith.muli %add3A_224, %mul3A_225 : i32
        %add3A_227 = arith.constant 4096 : i32
        %add3A_228 = arith.addi %add3A_227, %mul3A_226 : i32
        %get3A_229 = arith.index_cast %add3A_228 : i32 to index
        %get3A_230 = tpu.vector_load %arg6[%get3A_229] {strides = array<i32>} : memref<16384xi32, #tpu.memory_space<vmem>>, vector<16xi32>,
        %gather3A_231 = tpu.vector_load_idx %arg5[%get3A_230] : memref<100000xf32, #tpu.memory_space<vmem>>[vector<16xi32>], vector<16xf32>,
        %swap3A_232 = arith.index_cast %mul3A_226 : i32 to index
        %swap3A_233 = tpu.vector_load %arg8[%swap3A_232] {strides = array<i32>} : memref<4096xf32, #tpu.memory_space<vmem>>, vector<16xf32>,
        tpu.vector_store %arg8[%swap3A_232], %gather3A_231 {strides = array<i32>} : memref<4096xf32, #tpu.memory_space<vmem>>, vector<16xf32>,
        %mul3A_234 = arith.constant 16 : i32
        %mul3A_235 = arith.muli %scan3A_184, %mul3A_234 : i32
        %add3A_236 = arith.constant 4 : i32
        %add3A_237 = arith.addi %mul3A_235, %add3A_236 : i32
        %mul3A_238 = arith.constant 16 : i32
        %mul3A_239 = arith.muli %add3A_237, %mul3A_238 : i32
        %add3A_240 = arith.constant 4096 : i32
        %add3A_241 = arith.addi %add3A_240, %mul3A_239 : i32
        %get3A_242 = arith.index_cast %add3A_241 : i32 to index
        %get3A_243 = tpu.vector_load %arg6[%get3A_242] {strides = array<i32>} : memref<16384xi32, #tpu.memory_space<vmem>>, vector<16xi32>,
        %gather3A_244 = tpu.vector_load_idx %arg5[%get3A_243] : memref<100000xf32, #tpu.memory_space<vmem>>[vector<16xi32>], vector<16xf32>,
        %swap3A_245 = arith.index_cast %mul3A_239 : i32 to index
        %swap3A_246 = tpu.vector_load %arg8[%swap3A_245] {strides = array<i32>} : memref<4096xf32, #tpu.memory_space<vmem>>, vector<16xf32>,
        tpu.vector_store %arg8[%swap3A_245], %gather3A_244 {strides = array<i32>} : memref<4096xf32, #tpu.memory_space<vmem>>, vector<16xf32>,
        %mul3A_247 = arith.constant 16 : i32
        %mul3A_248 = arith.muli %scan3A_184, %mul3A_247 : i32
        %add3A_249 = arith.constant 5 : i32
        %add3A_250 = arith.addi %mul3A_248, %add3A_249 : i32
        %mul3A_251 = arith.constant 16 : i32
        %mul3A_252 = arith.muli %add3A_250, %mul3A_251 : i32
        %add3A_253 = arith.constant 4096 : i32
        %add3A_254 = arith.addi %add3A_253, %mul3A_252 : i32
        %get3A_255 = arith.index_cast %add3A_254 : i32 to index
        %get3A_256 = tpu.vector_load %arg6[%get3A_255] {strides = array<i32>} : memref<16384xi32, #tpu.memory_space<vmem>>, vector<16xi32>,
        %gather3A_257 = tpu.vector_load_idx %arg5[%get3A_256] : memref<100000xf32, #tpu.memory_space<vmem>>[vector<16xi32>], vector<16xf32>,
        %swap3A_258 = arith.index_cast %mul3A_252 : i32 to index
        %swap3A_259 = tpu.vector_load %arg8[%swap3A_258] {strides = array<i32>} : memref<4096xf32, #tpu.memory_space<vmem>>, vector<16xf32>,
        tpu.vector_store %arg8[%swap3A_258], %gather3A_257 {strides = array<i32>} : memref<4096xf32, #tpu.memory_space<vmem>>, vector<16xf32>,
        %mul3A_260 = arith.constant 16 : i32
        %mul3A_261 = arith.muli %scan3A_184, %mul3A_260 : i32
        %add3A_262 = arith.constant 6 : i32
        %add3A_263 = arith.addi %mul3A_261, %add3A_262 : i32
        %mul3A_264 = arith.constant 16 : i32
        %mul3A_265 = arith.muli %add3A_263, %mul3A_264 : i32
        %add3A_266 = arith.constant 4096 : i32
        %add3A_267 = arith.addi %add3A_266, %mul3A_265 : i32
        %get3A_268 = arith.index_cast %add3A_267 : i32 to index
        %get3A_269 = tpu.vector_load %arg6[%get3A_268] {strides = array<i32>} : memref<16384xi32, #tpu.memory_space<vmem>>, vector<16xi32>,
        %gather3A_270 = tpu.vector_load_idx %arg5[%get3A_269] : memref<100000xf32, #tpu.memory_space<vmem>>[vector<16xi32>], vector<16xf32>,
        %swap3A_271 = arith.index_cast %mul3A_265 : i32 to index
        %swap3A_272 = tpu.vector_load %arg8[%swap3A_271] {strides = array<i32>} : memref<4096xf32, #tpu.memory_space<vmem>>, vector<16xf32>,
        tpu.vector_store %arg8[%swap3A_271], %gather3A_270 {strides = array<i32>} : memref<4096xf32, #tpu.memory_space<vmem>>, vector<16xf32>,
        %mul3A_273 = arith.constant 16 : i32
        %mul3A_274 = arith.muli %scan3A_184, %mul3A_273 : i32
        %add3A_275 = arith.constant 7 : i32
        %add3A_276 = arith.addi %mul3A_274, %add3A_275 : i32
        %mul3A_277 = arith.constant 16 : i32
        %mul3A_278 = arith.muli %add3A_276, %mul3A_277 : i32
        %add3A_279 = arith.constant 4096 : i32
        %add3A_280 = arith.addi %add3A_279, %mul3A_278 : i32
        %get3A_281 = arith.index_cast %add3A_280 : i32 to index
        %get3A_282 = tpu.vector_load %arg6[%get3A_281] {strides = array<i32>} : memref<16384xi32, #tpu.memory_space<vmem>>, vector<16xi32>,
        %gather3A_283 = tpu.vector_load_idx %arg5[%get3A_282] : memref<100000xf32, #tpu.memory_space<vmem>>[vector<16xi32>], vector<16xf32>,
        %swap3A_284 = arith.index_cast %mul3A_278 : i32 to index
        %swap3A_285 = tpu.vector_load %arg8[%swap3A_284] {strides = array<i32>} : memref<4096xf32, #tpu.memory_space<vmem>>, vector<16xf32>,
        tpu.vector_store %arg8[%swap3A_284], %gather3A_283 {strides = array<i32>} : memref<4096xf32, #tpu.memory_space<vmem>>, vector<16xf32>,
        %mul3A_286 = arith.constant 16 : i32
        %mul3A_287 = arith.muli %scan3A_184, %mul3A_286 : i32
        %add3A_288 = arith.constant 8 : i32
        %add3A_289 = arith.addi %mul3A_287, %add3A_288 : i32
        %mul3A_290 = arith.constant 16 : i32
        %mul3A_291 = arith.muli %add3A_289, %mul3A_290 : i32
        %add3A_292 = arith.constant 4096 : i32
        %add3A_293 = arith.addi %add3A_292, %mul3A_291 : i32
        %get3A_294 = arith.index_cast %add3A_293 : i32 to index
        %get3A_295 = tpu.vector_load %arg6[%get3A_294] {strides = array<i32>} : memref<16384xi32, #tpu.memory_space<vmem>>, vector<16xi32>,
        %gather3A_296 = tpu.vector_load_idx %arg5[%get3A_295] : memref<100000xf32, #tpu.memory_space<vmem>>[vector<16xi32>], vector<16xf32>,
        %swap3A_297 = arith.index_cast %mul3A_291 : i32 to index
        %swap3A_298 = tpu.vector_load %arg8[%swap3A_297] {strides = array<i32>} : memref<4096xf32, #tpu.memory_space<vmem>>, vector<16xf32>,
        tpu.vector_store %arg8[%swap3A_297], %gather3A_296 {strides = array<i32>} : memref<4096xf32, #tpu.memory_space<vmem>>, vector<16xf32>,
        %mul3A_299 = arith.constant 16 : i32
        %mul3A_300 = arith.muli %scan3A_184, %mul3A_299 : i32
        %add3A_301 = arith.constant 9 : i32
        %add3A_302 = arith.addi %mul3A_300, %add3A_301 : i32
        %mul3A_303 = arith.constant 16 : i32
        %mul3A_304 = arith.muli %add3A_302, %mul3A_303 : i32
        %add3A_305 = arith.constant 4096 : i32
        %add3A_306 = arith.addi %add3A_305, %mul3A_304 : i32
        %get3A_307 = arith.index_cast %add3A_306 : i32 to index
        %get3A_308 = tpu.vector_load %arg6[%get3A_307] {strides = array<i32>} : memref<16384xi32, #tpu.memory_space<vmem>>, vector<16xi32>,
        %gather3A_309 = tpu.vector_load_idx %arg5[%get3A_308] : memref<100000xf32, #tpu.memory_space<vmem>>[vector<16xi32>], vector<16xf32>,
        %swap3A_310 = arith.index_cast %mul3A_304 : i32 to index
        %swap3A_311 = tpu.vector_load %arg8[%swap3A_310] {strides = array<i32>} : memref<4096xf32, #tpu.memory_space<vmem>>, vector<16xf32>,
        tpu.vector_store %arg8[%swap3A_310], %gather3A_309 {strides = array<i32>} : memref<4096xf32, #tpu.memory_space<vmem>>, vector<16xf32>,
        %mul3A_312 = arith.constant 16 : i32
        %mul3A_313 = arith.muli %scan3A_184, %mul3A_312 : i32
        %add3A_314 = arith.constant 10 : i32
        %add3A_315 = arith.addi %mul3A_313, %add3A_314 : i32
        %mul3A_316 = arith.constant 16 : i32
        %mul3A_317 = arith.muli %add3A_315, %mul3A_316 : i32
        %add3A_318 = arith.constant 4096 : i32
        %add3A_319 = arith.addi %add3A_318, %mul3A_317 : i32
        %get3A_320 = arith.index_cast %add3A_319 : i32 to index
        %get3A_321 = tpu.vector_load %arg6[%get3A_320] {strides = array<i32>} : memref<16384xi32, #tpu.memory_space<vmem>>, vector<16xi32>,
        %gather3A_322 = tpu.vector_load_idx %arg5[%get3A_321] : memref<100000xf32, #tpu.memory_space<vmem>>[vector<16xi32>], vector<16xf32>,
        %swap3A_323 = arith.index_cast %mul3A_317 : i32 to index
        %swap3A_324 = tpu.vector_load %arg8[%swap3A_323] {strides = array<i32>} : memref<4096xf32, #tpu.memory_space<vmem>>, vector<16xf32>,
        tpu.vector_store %arg8[%swap3A_323], %gather3A_322 {strides = array<i32>} : memref<4096xf32, #tpu.memory_space<vmem>>, vector<16xf32>,
        %mul3A_325 = arith.constant 16 : i32
        %mul3A_326 = arith.muli %scan3A_184, %mul3A_325 : i32
        %add3A_327 = arith.constant 11 : i32
        %add3A_328 = arith.addi %mul3A_326, %add3A_327 : i32
        %mul3A_329 = arith.constant 16 : i32
        %mul3A_330 = arith.muli %add3A_328, %mul3A_329 : i32
        %add3A_331 = arith.constant 4096 : i32
        %add3A_332 = arith.addi %add3A_331, %mul3A_330 : i32
        %get3A_333 = arith.index_cast %add3A_332 : i32 to index
        %get3A_334 = tpu.vector_load %arg6[%get3A_333] {strides = array<i32>} : memref<16384xi32, #tpu.memory_space<vmem>>, vector<16xi32>,
        %gather3A_335 = tpu.vector_load_idx %arg5[%get3A_334] : memref<100000xf32, #tpu.memory_space<vmem>>[vector<16xi32>], vector<16xf32>,
        %swap3A_336 = arith.index_cast %mul3A_330 : i32 to index
        %swap3A_337 = tpu.vector_load %arg8[%swap3A_336] {strides = array<i32>} : memref<4096xf32, #tpu.memory_space<vmem>>, vector<16xf32>,
        tpu.vector_store %arg8[%swap3A_336], %gather3A_335 {strides = array<i32>} : memref<4096xf32, #tpu.memory_space<vmem>>, vector<16xf32>,
        %mul3A_338 = arith.constant 16 : i32
        %mul3A_339 = arith.muli %scan3A_184, %mul3A_338 : i32
        %add3A_340 = arith.constant 12 : i32
        %add3A_341 = arith.addi %mul3A_339, %add3A_340 : i32
        %mul3A_342 = arith.constant 16 : i32
        %mul3A_343 = arith.muli %add3A_341, %mul3A_342 : i32
        %add3A_344 = arith.constant 4096 : i32
        %add3A_345 = arith.addi %add3A_344, %mul3A_343 : i32
        %get3A_346 = arith.index_cast %add3A_345 : i32 to index
        %get3A_347 = tpu.vector_load %arg6[%get3A_346] {strides = array<i32>} : memref<16384xi32, #tpu.memory_space<vmem>>, vector<16xi32>,
        %gather3A_348 = tpu.vector_load_idx %arg5[%get3A_347] : memref<100000xf32, #tpu.memory_space<vmem>>[vector<16xi32>], vector<16xf32>,
        %swap3A_349 = arith.index_cast %mul3A_343 : i32 to index
        %swap3A_350 = tpu.vector_load %arg8[%swap3A_349] {strides = array<i32>} : memref<4096xf32, #tpu.memory_space<vmem>>, vector<16xf32>,
        tpu.vector_store %arg8[%swap3A_349], %gather3A_348 {strides = array<i32>} : memref<4096xf32, #tpu.memory_space<vmem>>, vector<16xf32>,
        %mul3A_351 = arith.constant 16 : i32
        %mul3A_352 = arith.muli %scan3A_184, %mul3A_351 : i32
        %add3A_353 = arith.constant 13 : i32
        %add3A_354 = arith.addi %mul3A_352, %add3A_353 : i32
        %mul3A_355 = arith.constant 16 : i32
        %mul3A_356 = arith.muli %add3A_354, %mul3A_355 : i32
        %add3A_357 = arith.constant 4096 : i32
        %add3A_358 = arith.addi %add3A_357, %mul3A_356 : i32
        %get3A_359 = arith.index_cast %add3A_358 : i32 to index
        %get3A_360 = tpu.vector_load %arg6[%get3A_359] {strides = array<i32>} : memref<16384xi32, #tpu.memory_space<vmem>>, vector<16xi32>,
        %gather3A_361 = tpu.vector_load_idx %arg5[%get3A_360] : memref<100000xf32, #tpu.memory_space<vmem>>[vector<16xi32>], vector<16xf32>,
        %swap3A_362 = arith.index_cast %mul3A_356 : i32 to index
        %swap3A_363 = tpu.vector_load %arg8[%swap3A_362] {strides = array<i32>} : memref<4096xf32, #tpu.memory_space<vmem>>, vector<16xf32>,
        tpu.vector_store %arg8[%swap3A_362], %gather3A_361 {strides = array<i32>} : memref<4096xf32, #tpu.memory_space<vmem>>, vector<16xf32>,
        %mul3A_364 = arith.constant 16 : i32
        %mul3A_365 = arith.muli %scan3A_184, %mul3A_364 : i32
        %add3A_366 = arith.constant 14 : i32
        %add3A_367 = arith.addi %mul3A_365, %add3A_366 : i32
        %mul3A_368 = arith.constant 16 : i32
        %mul3A_369 = arith.muli %add3A_367, %mul3A_368 : i32
        %add3A_370 = arith.constant 4096 : i32
        %add3A_371 = arith.addi %add3A_370, %mul3A_369 : i32
        %get3A_372 = arith.index_cast %add3A_371 : i32 to index
        %get3A_373 = tpu.vector_load %arg6[%get3A_372] {strides = array<i32>} : memref<16384xi32, #tpu.memory_space<vmem>>, vector<16xi32>,
        %gather3A_374 = tpu.vector_load_idx %arg5[%get3A_373] : memref<100000xf32, #tpu.memory_space<vmem>>[vector<16xi32>], vector<16xf32>,
        %swap3A_375 = arith.index_cast %mul3A_369 : i32 to index
        %swap3A_376 = tpu.vector_load %arg8[%swap3A_375] {strides = array<i32>} : memref<4096xf32, #tpu.memory_space<vmem>>, vector<16xf32>,
        tpu.vector_store %arg8[%swap3A_375], %gather3A_374 {strides = array<i32>} : memref<4096xf32, #tpu.memory_space<vmem>>, vector<16xf32>,
        %mul3A_377 = arith.constant 16 : i32
        %mul3A_378 = arith.muli %scan3A_184, %mul3A_377 : i32
        %add3A_379 = arith.constant 15 : i32
        %add3A_380 = arith.addi %mul3A_378, %add3A_379 : i32
        %mul3A_381 = arith.constant 16 : i32
        %mul3A_382 = arith.muli %add3A_380, %mul3A_381 : i32
        %add3A_383 = arith.constant 4096 : i32
        %add3A_384 = arith.addi %add3A_383, %mul3A_382 : i32
        %get3A_385 = arith.index_cast %add3A_384 : i32 to index
        %get3A_386 = tpu.vector_load %arg6[%get3A_385] {strides = array<i32>} : memref<16384xi32, #tpu.memory_space<vmem>>, vector<16xi32>,
        %gather3A_387 = tpu.vector_load_idx %arg5[%get3A_386] : memref<100000xf32, #tpu.memory_space<vmem>>[vector<16xi32>], vector<16xf32>,
        %swap3A_388 = arith.index_cast %mul3A_382 : i32 to index
        %swap3A_389 = tpu.vector_load %arg8[%swap3A_388] {strides = array<i32>} : memref<4096xf32, #tpu.memory_space<vmem>>, vector<16xf32>,
        tpu.vector_store %arg8[%swap3A_388], %gather3A_387 {strides = array<i32>} : memref<4096xf32, #tpu.memory_space<vmem>>, vector<16xf32>,
      }
      %scan3A_141 = arith.constant 16 : i32
      %dma_start3A_142 = arith.constant 4096 : i32
      %dma_start3A_143 = tpu.memref_slice %arg4[%select_n3A_94, %select_n3A_110, %dma_start3A_142] : memref<26x32x16384xf32, #tpu.memory_space<hbm>> -> memref<1x1x4096xf32, #tpu.memory_space<hbm>>
      %dma_start3A_144 = tpu.memref_squeeze %dma_start3A_143 : memref<1x1x4096xf32, #tpu.memory_space<hbm>> -> memref<4096xf32, #tpu.memory_space<hbm>>
      %dma_start3A_145 = arith.constant 4096 : i32
      %dma_start3A_146 = tpu.memref_slice %arg4[%select_n3A_94, %select_n3A_110, %dma_start3A_145] : memref<26x32x16384xf32, #tpu.memory_space<hbm>> -> memref<1x1x4096xf32, #tpu.memory_space<hbm>>
      %dma_start3A_147 = tpu.memref_squeeze %dma_start3A_146 : memref<1x1x4096xf32, #tpu.memory_space<hbm>> -> memref<4096xf32, #tpu.memory_space<hbm>>
      tpu.enqueue_dma source(%arg8 : memref<4096xf32, #tpu.memory_space<vmem>>) target(%dma_start3A_147 : memref<4096xf32, #tpu.memory_space<hbm>>) target_semaphore(%arg10 : memref<!tpu.dma_semaphore, #tpu.memory_space<semaphore_mem>>)
      %dma_wait3A_148 = arith.constant 0 : i32
      %dma_wait3A_149 = tpu.memref_slice %arg4[%select_n3A_94, %select_n3A_110, %dma_wait3A_148] : memref<26x32x16384xf32, #tpu.memory_space<hbm>> -> memref<1x1x4096xf32, #tpu.memory_space<hbm>>
      %dma_wait3A_150 = tpu.memref_squeeze %dma_wait3A_149 : memref<1x1x4096xf32, #tpu.memory_space<hbm>> -> memref<4096xf32, #tpu.memory_space<hbm>>
      %dma_wait3A_151 = arith.constant 0 : i32
      %dma_wait3A_152 = tpu.memref_slice %arg4[%select_n3A_94, %select_n3A_110, %dma_wait3A_151] : memref<26x32x16384xf32, #tpu.memory_space<hbm>> -> memref<1x1x4096xf32, #tpu.memory_space<hbm>>
      %dma_wait3A_153 = tpu.memref_squeeze %dma_wait3A_152 : memref<1x1x4096xf32, #tpu.memory_space<hbm>> -> memref<4096xf32, #tpu.memory_space<hbm>>
      tpu.wait_dma2 semaphore(%arg9 : memref<!tpu.dma_semaphore, #tpu.memory_space<semaphore_mem>>) src(%arg7 : memref<4096xf32, #tpu.memory_space<vmem>>) dst(%dma_wait3A_153 : memref<4096xf32, #tpu.memory_space<hbm>>)
      %scan3A_154 = arith.constant 0 : i32
      %scan3A_155 = arith.constant 0 : i32
      %scan3A_156 = arith.constant 16 : i32
      %scan3A_157 = arith.addi %scan3A_155, %scan3A_156 : i32
      %scan3A_158 = arith.constant 1 : i32
      scf.for %scan3A_184 = %scan3A_155 to %scan3A_157 step %scan3A_158  : i32 {
        %mul3A_185 = arith.constant 16 : i32
        %mul3A_186 = arith.muli %scan3A_184, %mul3A_185 : i32
        %add3A_187 = arith.constant 0 : i32
        %add3A_188 = arith.addi %mul3A_186, %add3A_187 : i32
        %mul3A_189 = arith.constant 16 : i32
        %mul3A_190 = arith.muli %add3A_188, %mul3A_189 : i32
        %add3A_191 = arith.constant 8192 : i32
        %add3A_192 = arith.addi %add3A_191, %mul3A_190 : i32
        %get3A = arith.index_cast %add3A_192 : i32 to index
        %get3A_193 = tpu.vector_load %arg6[%get3A] {strides = array<i32>} : memref<16384xi32, #tpu.memory_space<vmem>>, vector<16xi32>,
        %gather3A = tpu.vector_load_idx %arg5[%get3A_193] : memref<100000xf32, #tpu.memory_space<vmem>>[vector<16xi32>], vector<16xf32>,
        %swap3A = arith.index_cast %mul3A_190 : i32 to index
        %swap3A_194 = tpu.vector_load %arg7[%swap3A] {strides = array<i32>} : memref<4096xf32, #tpu.memory_space<vmem>>, vector<16xf32>,
        tpu.vector_store %arg7[%swap3A], %gather3A {strides = array<i32>} : memref<4096xf32, #tpu.memory_space<vmem>>, vector<16xf32>,
        %mul3A_195 = arith.constant 16 : i32
        %mul3A_196 = arith.muli %scan3A_184, %mul3A_195 : i32
        %add3A_197 = arith.constant 1 : i32
        %add3A_198 = arith.addi %mul3A_196, %add3A_197 : i32
        %mul3A_199 = arith.constant 16 : i32
        %mul3A_200 = arith.muli %add3A_198, %mul3A_199 : i32
        %add3A_201 = arith.constant 8192 : i32
        %add3A_202 = arith.addi %add3A_201, %mul3A_200 : i32
        %get3A_203 = arith.index_cast %add3A_202 : i32 to index
        %get3A_204 = tpu.vector_load %arg6[%get3A_203] {strides = array<i32>} : memref<16384xi32, #tpu.memory_space<vmem>>, vector<16xi32>,
        %gather3A_205 = tpu.vector_load_idx %arg5[%get3A_204] : memref<100000xf32, #tpu.memory_space<vmem>>[vector<16xi32>], vector<16xf32>,
        %swap3A_206 = arith.index_cast %mul3A_200 : i32 to index
        %swap3A_207 = tpu.vector_load %arg7[%swap3A_206] {strides = array<i32>} : memref<4096xf32, #tpu.memory_space<vmem>>, vector<16xf32>,
        tpu.vector_store %arg7[%swap3A_206], %gather3A_205 {strides = array<i32>} : memref<4096xf32, #tpu.memory_space<vmem>>, vector<16xf32>,
        %mul3A_208 = arith.constant 16 : i32
        %mul3A_209 = arith.muli %scan3A_184, %mul3A_208 : i32
        %add3A_210 = arith.constant 2 : i32
        %add3A_211 = arith.addi %mul3A_209, %add3A_210 : i32
        %mul3A_212 = arith.constant 16 : i32
        %mul3A_213 = arith.muli %add3A_211, %mul3A_212 : i32
        %add3A_214 = arith.constant 8192 : i32
        %add3A_215 = arith.addi %add3A_214, %mul3A_213 : i32
        %get3A_216 = arith.index_cast %add3A_215 : i32 to index
        %get3A_217 = tpu.vector_load %arg6[%get3A_216] {strides = array<i32>} : memref<16384xi32, #tpu.memory_space<vmem>>, vector<16xi32>,
        %gather3A_218 = tpu.vector_load_idx %arg5[%get3A_217] : memref<100000xf32, #tpu.memory_space<vmem>>[vector<16xi32>], vector<16xf32>,
        %swap3A_219 = arith.index_cast %mul3A_213 : i32 to index
        %swap3A_220 = tpu.vector_load %arg7[%swap3A_219] {strides = array<i32>} : memref<4096xf32, #tpu.memory_space<vmem>>, vector<16xf32>,
        tpu.vector_store %arg7[%swap3A_219], %gather3A_218 {strides = array<i32>} : memref<4096xf32, #tpu.memory_space<vmem>>, vector<16xf32>,
        %mul3A_221 = arith.constant 16 : i32
        %mul3A_222 = arith.muli %scan3A_184, %mul3A_221 : i32
        %add3A_223 = arith.constant 3 : i32
        %add3A_224 = arith.addi %mul3A_222, %add3A_223 : i32
        %mul3A_225 = arith.constant 16 : i32
        %mul3A_226 = arith.muli %add3A_224, %mul3A_225 : i32
        %add3A_227 = arith.constant 8192 : i32
        %add3A_228 = arith.addi %add3A_227, %mul3A_226 : i32
        %get3A_229 = arith.index_cast %add3A_228 : i32 to index
        %get3A_230 = tpu.vector_load %arg6[%get3A_229] {strides = array<i32>} : memref<16384xi32, #tpu.memory_space<vmem>>, vector<16xi32>,
        %gather3A_231 = tpu.vector_load_idx %arg5[%get3A_230] : memref<100000xf32, #tpu.memory_space<vmem>>[vector<16xi32>], vector<16xf32>,
        %swap3A_232 = arith.index_cast %mul3A_226 : i32 to index
        %swap3A_233 = tpu.vector_load %arg7[%swap3A_232] {strides = array<i32>} : memref<4096xf32, #tpu.memory_space<vmem>>, vector<16xf32>,
        tpu.vector_store %arg7[%swap3A_232], %gather3A_231 {strides = array<i32>} : memref<4096xf32, #tpu.memory_space<vmem>>, vector<16xf32>,
        %mul3A_234 = arith.constant 16 : i32
        %mul3A_235 = arith.muli %scan3A_184, %mul3A_234 : i32
        %add3A_236 = arith.constant 4 : i32
        %add3A_237 = arith.addi %mul3A_235, %add3A_236 : i32
        %mul3A_238 = arith.constant 16 : i32
        %mul3A_239 = arith.muli %add3A_237, %mul3A_238 : i32
        %add3A_240 = arith.constant 8192 : i32
        %add3A_241 = arith.addi %add3A_240, %mul3A_239 : i32
        %get3A_242 = arith.index_cast %add3A_241 : i32 to index
        %get3A_243 = tpu.vector_load %arg6[%get3A_242] {strides = array<i32>} : memref<16384xi32, #tpu.memory_space<vmem>>, vector<16xi32>,
        %gather3A_244 = tpu.vector_load_idx %arg5[%get3A_243] : memref<100000xf32, #tpu.memory_space<vmem>>[vector<16xi32>], vector<16xf32>,
        %swap3A_245 = arith.index_cast %mul3A_239 : i32 to index
        %swap3A_246 = tpu.vector_load %arg7[%swap3A_245] {strides = array<i32>} : memref<4096xf32, #tpu.memory_space<vmem>>, vector<16xf32>,
        tpu.vector_store %arg7[%swap3A_245], %gather3A_244 {strides = array<i32>} : memref<4096xf32, #tpu.memory_space<vmem>>, vector<16xf32>,
        %mul3A_247 = arith.constant 16 : i32
        %mul3A_248 = arith.muli %scan3A_184, %mul3A_247 : i32
        %add3A_249 = arith.constant 5 : i32
        %add3A_250 = arith.addi %mul3A_248, %add3A_249 : i32
        %mul3A_251 = arith.constant 16 : i32
        %mul3A_252 = arith.muli %add3A_250, %mul3A_251 : i32
        %add3A_253 = arith.constant 8192 : i32
        %add3A_254 = arith.addi %add3A_253, %mul3A_252 : i32
        %get3A_255 = arith.index_cast %add3A_254 : i32 to index
        %get3A_256 = tpu.vector_load %arg6[%get3A_255] {strides = array<i32>} : memref<16384xi32, #tpu.memory_space<vmem>>, vector<16xi32>,
        %gather3A_257 = tpu.vector_load_idx %arg5[%get3A_256] : memref<100000xf32, #tpu.memory_space<vmem>>[vector<16xi32>], vector<16xf32>,
        %swap3A_258 = arith.index_cast %mul3A_252 : i32 to index
        %swap3A_259 = tpu.vector_load %arg7[%swap3A_258] {strides = array<i32>} : memref<4096xf32, #tpu.memory_space<vmem>>, vector<16xf32>,
        tpu.vector_store %arg7[%swap3A_258], %gather3A_257 {strides = array<i32>} : memref<4096xf32, #tpu.memory_space<vmem>>, vector<16xf32>,
        %mul3A_260 = arith.constant 16 : i32
        %mul3A_261 = arith.muli %scan3A_184, %mul3A_260 : i32
        %add3A_262 = arith.constant 6 : i32
        %add3A_263 = arith.addi %mul3A_261, %add3A_262 : i32
        %mul3A_264 = arith.constant 16 : i32
        %mul3A_265 = arith.muli %add3A_263, %mul3A_264 : i32
        %add3A_266 = arith.constant 8192 : i32
        %add3A_267 = arith.addi %add3A_266, %mul3A_265 : i32
        %get3A_268 = arith.index_cast %add3A_267 : i32 to index
        %get3A_269 = tpu.vector_load %arg6[%get3A_268] {strides = array<i32>} : memref<16384xi32, #tpu.memory_space<vmem>>, vector<16xi32>,
        %gather3A_270 = tpu.vector_load_idx %arg5[%get3A_269] : memref<100000xf32, #tpu.memory_space<vmem>>[vector<16xi32>], vector<16xf32>,
        %swap3A_271 = arith.index_cast %mul3A_265 : i32 to index
        %swap3A_272 = tpu.vector_load %arg7[%swap3A_271] {strides = array<i32>} : memref<4096xf32, #tpu.memory_space<vmem>>, vector<16xf32>,
        tpu.vector_store %arg7[%swap3A_271], %gather3A_270 {strides = array<i32>} : memref<4096xf32, #tpu.memory_space<vmem>>, vector<16xf32>,
        %mul3A_273 = arith.constant 16 : i32
        %mul3A_274 = arith.muli %scan3A_184, %mul3A_273 : i32
        %add3A_275 = arith.constant 7 : i32
        %add3A_276 = arith.addi %mul3A_274, %add3A_275 : i32
        %mul3A_277 = arith.constant 16 : i32
        %mul3A_278 = arith.muli %add3A_276, %mul3A_277 : i32
        %add3A_279 = arith.constant 8192 : i32
        %add3A_280 = arith.addi %add3A_279, %mul3A_278 : i32
        %get3A_281 = arith.index_cast %add3A_280 : i32 to index
        %get3A_282 = tpu.vector_load %arg6[%get3A_281] {strides = array<i32>} : memref<16384xi32, #tpu.memory_space<vmem>>, vector<16xi32>,
        %gather3A_283 = tpu.vector_load_idx %arg5[%get3A_282] : memref<100000xf32, #tpu.memory_space<vmem>>[vector<16xi32>], vector<16xf32>,
        %swap3A_284 = arith.index_cast %mul3A_278 : i32 to index
        %swap3A_285 = tpu.vector_load %arg7[%swap3A_284] {strides = array<i32>} : memref<4096xf32, #tpu.memory_space<vmem>>, vector<16xf32>,
        tpu.vector_store %arg7[%swap3A_284], %gather3A_283 {strides = array<i32>} : memref<4096xf32, #tpu.memory_space<vmem>>, vector<16xf32>,
        %mul3A_286 = arith.constant 16 : i32
        %mul3A_287 = arith.muli %scan3A_184, %mul3A_286 : i32
        %add3A_288 = arith.constant 8 : i32
        %add3A_289 = arith.addi %mul3A_287, %add3A_288 : i32
        %mul3A_290 = arith.constant 16 : i32
        %mul3A_291 = arith.muli %add3A_289, %mul3A_290 : i32
        %add3A_292 = arith.constant 8192 : i32
        %add3A_293 = arith.addi %add3A_292, %mul3A_291 : i32
        %get3A_294 = arith.index_cast %add3A_293 : i32 to index
        %get3A_295 = tpu.vector_load %arg6[%get3A_294] {strides = array<i32>} : memref<16384xi32, #tpu.memory_space<vmem>>, vector<16xi32>,
        %gather3A_296 = tpu.vector_load_idx %arg5[%get3A_295] : memref<100000xf32, #tpu.memory_space<vmem>>[vector<16xi32>], vector<16xf32>,
        %swap3A_297 = arith.index_cast %mul3A_291 : i32 to index
        %swap3A_298 = tpu.vector_load %arg7[%swap3A_297] {strides = array<i32>} : memref<4096xf32, #tpu.memory_space<vmem>>, vector<16xf32>,
        tpu.vector_store %arg7[%swap3A_297], %gather3A_296 {strides = array<i32>} : memref<4096xf32, #tpu.memory_space<vmem>>, vector<16xf32>,
        %mul3A_299 = arith.constant 16 : i32
        %mul3A_300 = arith.muli %scan3A_184, %mul3A_299 : i32
        %add3A_301 = arith.constant 9 : i32
        %add3A_302 = arith.addi %mul3A_300, %add3A_301 : i32
        %mul3A_303 = arith.constant 16 : i32
        %mul3A_304 = arith.muli %add3A_302, %mul3A_303 : i32
        %add3A_305 = arith.constant 8192 : i32
        %add3A_306 = arith.addi %add3A_305, %mul3A_304 : i32
        %get3A_307 = arith.index_cast %add3A_306 : i32 to index
        %get3A_308 = tpu.vector_load %arg6[%get3A_307] {strides = array<i32>} : memref<16384xi32, #tpu.memory_space<vmem>>, vector<16xi32>,
        %gather3A_309 = tpu.vector_load_idx %arg5[%get3A_308] : memref<100000xf32, #tpu.memory_space<vmem>>[vector<16xi32>], vector<16xf32>,
        %swap3A_310 = arith.index_cast %mul3A_304 : i32 to index
        %swap3A_311 = tpu.vector_load %arg7[%swap3A_310] {strides = array<i32>} : memref<4096xf32, #tpu.memory_space<vmem>>, vector<16xf32>,
        tpu.vector_store %arg7[%swap3A_310], %gather3A_309 {strides = array<i32>} : memref<4096xf32, #tpu.memory_space<vmem>>, vector<16xf32>,
        %mul3A_312 = arith.constant 16 : i32
        %mul3A_313 = arith.muli %scan3A_184, %mul3A_312 : i32
        %add3A_314 = arith.constant 10 : i32
        %add3A_315 = arith.addi %mul3A_313, %add3A_314 : i32
        %mul3A_316 = arith.constant 16 : i32
        %mul3A_317 = arith.muli %add3A_315, %mul3A_316 : i32
        %add3A_318 = arith.constant 8192 : i32
        %add3A_319 = arith.addi %add3A_318, %mul3A_317 : i32
        %get3A_320 = arith.index_cast %add3A_319 : i32 to index
        %get3A_321 = tpu.vector_load %arg6[%get3A_320] {strides = array<i32>} : memref<16384xi32, #tpu.memory_space<vmem>>, vector<16xi32>,
        %gather3A_322 = tpu.vector_load_idx %arg5[%get3A_321] : memref<100000xf32, #tpu.memory_space<vmem>>[vector<16xi32>], vector<16xf32>,
        %swap3A_323 = arith.index_cast %mul3A_317 : i32 to index
        %swap3A_324 = tpu.vector_load %arg7[%swap3A_323] {strides = array<i32>} : memref<4096xf32, #tpu.memory_space<vmem>>, vector<16xf32>,
        tpu.vector_store %arg7[%swap3A_323], %gather3A_322 {strides = array<i32>} : memref<4096xf32, #tpu.memory_space<vmem>>, vector<16xf32>,
        %mul3A_325 = arith.constant 16 : i32
        %mul3A_326 = arith.muli %scan3A_184, %mul3A_325 : i32
        %add3A_327 = arith.constant 11 : i32
        %add3A_328 = arith.addi %mul3A_326, %add3A_327 : i32
        %mul3A_329 = arith.constant 16 : i32
        %mul3A_330 = arith.muli %add3A_328, %mul3A_329 : i32
        %add3A_331 = arith.constant 8192 : i32
        %add3A_332 = arith.addi %add3A_331, %mul3A_330 : i32
        %get3A_333 = arith.index_cast %add3A_332 : i32 to index
        %get3A_334 = tpu.vector_load %arg6[%get3A_333] {strides = array<i32>} : memref<16384xi32, #tpu.memory_space<vmem>>, vector<16xi32>,
        %gather3A_335 = tpu.vector_load_idx %arg5[%get3A_334] : memref<100000xf32, #tpu.memory_space<vmem>>[vector<16xi32>], vector<16xf32>,
        %swap3A_336 = arith.index_cast %mul3A_330 : i32 to index
        %swap3A_337 = tpu.vector_load %arg7[%swap3A_336] {strides = array<i32>} : memref<4096xf32, #tpu.memory_space<vmem>>, vector<16xf32>,
        tpu.vector_store %arg7[%swap3A_336], %gather3A_335 {strides = array<i32>} : memref<4096xf32, #tpu.memory_space<vmem>>, vector<16xf32>,
        %mul3A_338 = arith.constant 16 : i32
        %mul3A_339 = arith.muli %scan3A_184, %mul3A_338 : i32
        %add3A_340 = arith.constant 12 : i32
        %add3A_341 = arith.addi %mul3A_339, %add3A_340 : i32
        %mul3A_342 = arith.constant 16 : i32
        %mul3A_343 = arith.muli %add3A_341, %mul3A_342 : i32
        %add3A_344 = arith.constant 8192 : i32
        %add3A_345 = arith.addi %add3A_344, %mul3A_343 : i32
        %get3A_346 = arith.index_cast %add3A_345 : i32 to index
        %get3A_347 = tpu.vector_load %arg6[%get3A_346] {strides = array<i32>} : memref<16384xi32, #tpu.memory_space<vmem>>, vector<16xi32>,
        %gather3A_348 = tpu.vector_load_idx %arg5[%get3A_347] : memref<100000xf32, #tpu.memory_space<vmem>>[vector<16xi32>], vector<16xf32>,
        %swap3A_349 = arith.index_cast %mul3A_343 : i32 to index
        %swap3A_350 = tpu.vector_load %arg7[%swap3A_349] {strides = array<i32>} : memref<4096xf32, #tpu.memory_space<vmem>>, vector<16xf32>,
        tpu.vector_store %arg7[%swap3A_349], %gather3A_348 {strides = array<i32>} : memref<4096xf32, #tpu.memory_space<vmem>>, vector<16xf32>,
        %mul3A_351 = arith.constant 16 : i32
        %mul3A_352 = arith.muli %scan3A_184, %mul3A_351 : i32
        %add3A_353 = arith.constant 13 : i32
        %add3A_354 = arith.addi %mul3A_352, %add3A_353 : i32
        %mul3A_355 = arith.constant 16 : i32
        %mul3A_356 = arith.muli %add3A_354, %mul3A_355 : i32
        %add3A_357 = arith.constant 8192 : i32
        %add3A_358 = arith.addi %add3A_357, %mul3A_356 : i32
        %get3A_359 = arith.index_cast %add3A_358 : i32 to index
        %get3A_360 = tpu.vector_load %arg6[%get3A_359] {strides = array<i32>} : memref<16384xi32, #tpu.memory_space<vmem>>, vector<16xi32>,
        %gather3A_361 = tpu.vector_load_idx %arg5[%get3A_360] : memref<100000xf32, #tpu.memory_space<vmem>>[vector<16xi32>], vector<16xf32>,
        %swap3A_362 = arith.index_cast %mul3A_356 : i32 to index
        %swap3A_363 = tpu.vector_load %arg7[%swap3A_362] {strides = array<i32>} : memref<4096xf32, #tpu.memory_space<vmem>>, vector<16xf32>,
        tpu.vector_store %arg7[%swap3A_362], %gather3A_361 {strides = array<i32>} : memref<4096xf32, #tpu.memory_space<vmem>>, vector<16xf32>,
        %mul3A_364 = arith.constant 16 : i32
        %mul3A_365 = arith.muli %scan3A_184, %mul3A_364 : i32
        %add3A_366 = arith.constant 14 : i32
        %add3A_367 = arith.addi %mul3A_365, %add3A_366 : i32
        %mul3A_368 = arith.constant 16 : i32
        %mul3A_369 = arith.muli %add3A_367, %mul3A_368 : i32
        %add3A_370 = arith.constant 8192 : i32
        %add3A_371 = arith.addi %add3A_370, %mul3A_369 : i32
        %get3A_372 = arith.index_cast %add3A_371 : i32 to index
        %get3A_373 = tpu.vector_load %arg6[%get3A_372] {strides = array<i32>} : memref<16384xi32, #tpu.memory_space<vmem>>, vector<16xi32>,
        %gather3A_374 = tpu.vector_load_idx %arg5[%get3A_373] : memref<100000xf32, #tpu.memory_space<vmem>>[vector<16xi32>], vector<16xf32>,
        %swap3A_375 = arith.index_cast %mul3A_369 : i32 to index
        %swap3A_376 = tpu.vector_load %arg7[%swap3A_375] {strides = array<i32>} : memref<4096xf32, #tpu.memory_space<vmem>>, vector<16xf32>,
        tpu.vector_store %arg7[%swap3A_375], %gather3A_374 {strides = array<i32>} : memref<4096xf32, #tpu.memory_space<vmem>>, vector<16xf32>,
        %mul3A_377 = arith.constant 16 : i32
        %mul3A_378 = arith.muli %scan3A_184, %mul3A_377 : i32
        %add3A_379 = arith.constant 15 : i32
        %add3A_380 = arith.addi %mul3A_378, %add3A_379 : i32
        %mul3A_381 = arith.constant 16 : i32
        %mul3A_382 = arith.muli %add3A_380, %mul3A_381 : i32
        %add3A_383 = arith.constant 8192 : i32
        %add3A_384 = arith.addi %add3A_383, %mul3A_382 : i32
        %get3A_385 = arith.index_cast %add3A_384 : i32 to index
        %get3A_386 = tpu.vector_load %arg6[%get3A_385] {strides = array<i32>} : memref<16384xi32, #tpu.memory_space<vmem>>, vector<16xi32>,
        %gather3A_387 = tpu.vector_load_idx %arg5[%get3A_386] : memref<100000xf32, #tpu.memory_space<vmem>>[vector<16xi32>], vector<16xf32>,
        %swap3A_388 = arith.index_cast %mul3A_382 : i32 to index
        %swap3A_389 = tpu.vector_load %arg7[%swap3A_388] {strides = array<i32>} : memref<4096xf32, #tpu.memory_space<vmem>>, vector<16xf32>,
        tpu.vector_store %arg7[%swap3A_388], %gather3A_387 {strides = array<i32>} : memref<4096xf32, #tpu.memory_space<vmem>>, vector<16xf32>,
      }
      %scan3A_159 = arith.constant 16 : i32
      %dma_start3A_160 = arith.constant 8192 : i32
      %dma_start3A_161 = tpu.memref_slice %arg4[%select_n3A_94, %select_n3A_110, %dma_start3A_160] : memref<26x32x16384xf32, #tpu.memory_space<hbm>> -> memref<1x1x4096xf32, #tpu.memory_space<hbm>>
      %dma_start3A_162 = tpu.memref_squeeze %dma_start3A_161 : memref<1x1x4096xf32, #tpu.memory_space<hbm>> -> memref<4096xf32, #tpu.memory_space<hbm>>
      %dma_start3A_163 = arith.constant 8192 : i32
      %dma_start3A_164 = tpu.memref_slice %arg4[%select_n3A_94, %select_n3A_110, %dma_start3A_163] : memref<26x32x16384xf32, #tpu.memory_space<hbm>> -> memref<1x1x4096xf32, #tpu.memory_space<hbm>>
      %dma_start3A_165 = tpu.memref_squeeze %dma_start3A_164 : memref<1x1x4096xf32, #tpu.memory_space<hbm>> -> memref<4096xf32, #tpu.memory_space<hbm>>
      tpu.enqueue_dma source(%arg7 : memref<4096xf32, #tpu.memory_space<vmem>>) target(%dma_start3A_165 : memref<4096xf32, #tpu.memory_space<hbm>>) target_semaphore(%arg9 : memref<!tpu.dma_semaphore, #tpu.memory_space<semaphore_mem>>)
      %dma_wait3A_166 = arith.constant 4096 : i32
      %dma_wait3A_167 = tpu.memref_slice %arg4[%select_n3A_94, %select_n3A_110, %dma_wait3A_166] : memref<26x32x16384xf32, #tpu.memory_space<hbm>> -> memref<1x1x4096xf32, #tpu.memory_space<hbm>>
      %dma_wait3A_168 = tpu.memref_squeeze %dma_wait3A_167 : memref<1x1x4096xf32, #tpu.memory_space<hbm>> -> memref<4096xf32, #tpu.memory_space<hbm>>
      %dma_wait3A_169 = arith.constant 4096 : i32
      %dma_wait3A_170 = tpu.memref_slice %arg4[%select_n3A_94, %select_n3A_110, %dma_wait3A_169] : memref<26x32x16384xf32, #tpu.memory_space<hbm>> -> memref<1x1x4096xf32, #tpu.memory_space<hbm>>
      %dma_wait3A_171 = tpu.memref_squeeze %dma_wait3A_170 : memref<1x1x4096xf32, #tpu.memory_space<hbm>> -> memref<4096xf32, #tpu.memory_space<hbm>>
      tpu.wait_dma2 semaphore(%arg10 : memref<!tpu.dma_semaphore, #tpu.memory_space<semaphore_mem>>) src(%arg8 : memref<4096xf32, #tpu.memory_space<vmem>>) dst(%dma_wait3A_171 : memref<4096xf32, #tpu.memory_space<hbm>>)
      %scan3A_172 = arith.constant 0 : i32
      %scan3A_173 = arith.constant 0 : i32
      %scan3A_174 = arith.constant 16 : i32
      %scan3A_175 = arith.addi %scan3A_173, %scan3A_174 : i32
      %scan3A_176 = arith.constant 1 : i32
      scf.for %scan3A_184 = %scan3A_173 to %scan3A_175 step %scan3A_176  : i32 {
        %mul3A_185 = arith.constant 16 : i32
        %mul3A_186 = arith.muli %scan3A_184, %mul3A_185 : i32
        %add3A_187 = arith.constant 0 : i32
        %add3A_188 = arith.addi %mul3A_186, %add3A_187 : i32
        %mul3A_189 = arith.constant 16 : i32
        %mul3A_190 = arith.muli %add3A_188, %mul3A_189 : i32
        %add3A_191 = arith.constant 12288 : i32
        %add3A_192 = arith.addi %add3A_191, %mul3A_190 : i32
        %get3A = arith.index_cast %add3A_192 : i32 to index
        %get3A_193 = tpu.vector_load %arg6[%get3A] {strides = array<i32>} : memref<16384xi32, #tpu.memory_space<vmem>>, vector<16xi32>,
        %gather3A = tpu.vector_load_idx %arg5[%get3A_193] : memref<100000xf32, #tpu.memory_space<vmem>>[vector<16xi32>], vector<16xf32>,
        %swap3A = arith.index_cast %mul3A_190 : i32 to index
        %swap3A_194 = tpu.vector_load %arg8[%swap3A] {strides = array<i32>} : memref<4096xf32, #tpu.memory_space<vmem>>, vector<16xf32>,
        tpu.vector_store %arg8[%swap3A], %gather3A {strides = array<i32>} : memref<4096xf32, #tpu.memory_space<vmem>>, vector<16xf32>,
        %mul3A_195 = arith.constant 16 : i32
        %mul3A_196 = arith.muli %scan3A_184, %mul3A_195 : i32
        %add3A_197 = arith.constant 1 : i32
        %add3A_198 = arith.addi %mul3A_196, %add3A_197 : i32
        %mul3A_199 = arith.constant 16 : i32
        %mul3A_200 = arith.muli %add3A_198, %mul3A_199 : i32
        %add3A_201 = arith.constant 12288 : i32
        %add3A_202 = arith.addi %add3A_201, %mul3A_200 : i32
        %get3A_203 = arith.index_cast %add3A_202 : i32 to index
        %get3A_204 = tpu.vector_load %arg6[%get3A_203] {strides = array<i32>} : memref<16384xi32, #tpu.memory_space<vmem>>, vector<16xi32>,
        %gather3A_205 = tpu.vector_load_idx %arg5[%get3A_204] : memref<100000xf32, #tpu.memory_space<vmem>>[vector<16xi32>], vector<16xf32>,
        %swap3A_206 = arith.index_cast %mul3A_200 : i32 to index
        %swap3A_207 = tpu.vector_load %arg8[%swap3A_206] {strides = array<i32>} : memref<4096xf32, #tpu.memory_space<vmem>>, vector<16xf32>,
        tpu.vector_store %arg8[%swap3A_206], %gather3A_205 {strides = array<i32>} : memref<4096xf32, #tpu.memory_space<vmem>>, vector<16xf32>,
        %mul3A_208 = arith.constant 16 : i32
        %mul3A_209 = arith.muli %scan3A_184, %mul3A_208 : i32
        %add3A_210 = arith.constant 2 : i32
        %add3A_211 = arith.addi %mul3A_209, %add3A_210 : i32
        %mul3A_212 = arith.constant 16 : i32
        %mul3A_213 = arith.muli %add3A_211, %mul3A_212 : i32
        %add3A_214 = arith.constant 12288 : i32
        %add3A_215 = arith.addi %add3A_214, %mul3A_213 : i32
        %get3A_216 = arith.index_cast %add3A_215 : i32 to index
        %get3A_217 = tpu.vector_load %arg6[%get3A_216] {strides = array<i32>} : memref<16384xi32, #tpu.memory_space<vmem>>, vector<16xi32>,
        %gather3A_218 = tpu.vector_load_idx %arg5[%get3A_217] : memref<100000xf32, #tpu.memory_space<vmem>>[vector<16xi32>], vector<16xf32>,
        %swap3A_219 = arith.index_cast %mul3A_213 : i32 to index
        %swap3A_220 = tpu.vector_load %arg8[%swap3A_219] {strides = array<i32>} : memref<4096xf32, #tpu.memory_space<vmem>>, vector<16xf32>,
        tpu.vector_store %arg8[%swap3A_219], %gather3A_218 {strides = array<i32>} : memref<4096xf32, #tpu.memory_space<vmem>>, vector<16xf32>,
        %mul3A_221 = arith.constant 16 : i32
        %mul3A_222 = arith.muli %scan3A_184, %mul3A_221 : i32
        %add3A_223 = arith.constant 3 : i32
        %add3A_224 = arith.addi %mul3A_222, %add3A_223 : i32
        %mul3A_225 = arith.constant 16 : i32
        %mul3A_226 = arith.muli %add3A_224, %mul3A_225 : i32
        %add3A_227 = arith.constant 12288 : i32
        %add3A_228 = arith.addi %add3A_227, %mul3A_226 : i32
        %get3A_229 = arith.index_cast %add3A_228 : i32 to index
        %get3A_230 = tpu.vector_load %arg6[%get3A_229] {strides = array<i32>} : memref<16384xi32, #tpu.memory_space<vmem>>, vector<16xi32>,
        %gather3A_231 = tpu.vector_load_idx %arg5[%get3A_230] : memref<100000xf32, #tpu.memory_space<vmem>>[vector<16xi32>], vector<16xf32>,
        %swap3A_232 = arith.index_cast %mul3A_226 : i32 to index
        %swap3A_233 = tpu.vector_load %arg8[%swap3A_232] {strides = array<i32>} : memref<4096xf32, #tpu.memory_space<vmem>>, vector<16xf32>,
        tpu.vector_store %arg8[%swap3A_232], %gather3A_231 {strides = array<i32>} : memref<4096xf32, #tpu.memory_space<vmem>>, vector<16xf32>,
        %mul3A_234 = arith.constant 16 : i32
        %mul3A_235 = arith.muli %scan3A_184, %mul3A_234 : i32
        %add3A_236 = arith.constant 4 : i32
        %add3A_237 = arith.addi %mul3A_235, %add3A_236 : i32
        %mul3A_238 = arith.constant 16 : i32
        %mul3A_239 = arith.muli %add3A_237, %mul3A_238 : i32
        %add3A_240 = arith.constant 12288 : i32
        %add3A_241 = arith.addi %add3A_240, %mul3A_239 : i32
        %get3A_242 = arith.index_cast %add3A_241 : i32 to index
        %get3A_243 = tpu.vector_load %arg6[%get3A_242] {strides = array<i32>} : memref<16384xi32, #tpu.memory_space<vmem>>, vector<16xi32>,
        %gather3A_244 = tpu.vector_load_idx %arg5[%get3A_243] : memref<100000xf32, #tpu.memory_space<vmem>>[vector<16xi32>], vector<16xf32>,
        %swap3A_245 = arith.index_cast %mul3A_239 : i32 to index
        %swap3A_246 = tpu.vector_load %arg8[%swap3A_245] {strides = array<i32>} : memref<4096xf32, #tpu.memory_space<vmem>>, vector<16xf32>,
        tpu.vector_store %arg8[%swap3A_245], %gather3A_244 {strides = array<i32>} : memref<4096xf32, #tpu.memory_space<vmem>>, vector<16xf32>,
        %mul3A_247 = arith.constant 16 : i32
        %mul3A_248 = arith.muli %scan3A_184, %mul3A_247 : i32
        %add3A_249 = arith.constant 5 : i32
        %add3A_250 = arith.addi %mul3A_248, %add3A_249 : i32
        %mul3A_251 = arith.constant 16 : i32
        %mul3A_252 = arith.muli %add3A_250, %mul3A_251 : i32
        %add3A_253 = arith.constant 12288 : i32
        %add3A_254 = arith.addi %add3A_253, %mul3A_252 : i32
        %get3A_255 = arith.index_cast %add3A_254 : i32 to index
        %get3A_256 = tpu.vector_load %arg6[%get3A_255] {strides = array<i32>} : memref<16384xi32, #tpu.memory_space<vmem>>, vector<16xi32>,
        %gather3A_257 = tpu.vector_load_idx %arg5[%get3A_256] : memref<100000xf32, #tpu.memory_space<vmem>>[vector<16xi32>], vector<16xf32>,
        %swap3A_258 = arith.index_cast %mul3A_252 : i32 to index
        %swap3A_259 = tpu.vector_load %arg8[%swap3A_258] {strides = array<i32>} : memref<4096xf32, #tpu.memory_space<vmem>>, vector<16xf32>,
        tpu.vector_store %arg8[%swap3A_258], %gather3A_257 {strides = array<i32>} : memref<4096xf32, #tpu.memory_space<vmem>>, vector<16xf32>,
        %mul3A_260 = arith.constant 16 : i32
        %mul3A_261 = arith.muli %scan3A_184, %mul3A_260 : i32
        %add3A_262 = arith.constant 6 : i32
        %add3A_263 = arith.addi %mul3A_261, %add3A_262 : i32
        %mul3A_264 = arith.constant 16 : i32
        %mul3A_265 = arith.muli %add3A_263, %mul3A_264 : i32
        %add3A_266 = arith.constant 12288 : i32
        %add3A_267 = arith.addi %add3A_266, %mul3A_265 : i32
        %get3A_268 = arith.index_cast %add3A_267 : i32 to index
        %get3A_269 = tpu.vector_load %arg6[%get3A_268] {strides = array<i32>} : memref<16384xi32, #tpu.memory_space<vmem>>, vector<16xi32>,
        %gather3A_270 = tpu.vector_load_idx %arg5[%get3A_269] : memref<100000xf32, #tpu.memory_space<vmem>>[vector<16xi32>], vector<16xf32>,
        %swap3A_271 = arith.index_cast %mul3A_265 : i32 to index
        %swap3A_272 = tpu.vector_load %arg8[%swap3A_271] {strides = array<i32>} : memref<4096xf32, #tpu.memory_space<vmem>>, vector<16xf32>,
        tpu.vector_store %arg8[%swap3A_271], %gather3A_270 {strides = array<i32>} : memref<4096xf32, #tpu.memory_space<vmem>>, vector<16xf32>,
        %mul3A_273 = arith.constant 16 : i32
        %mul3A_274 = arith.muli %scan3A_184, %mul3A_273 : i32
        %add3A_275 = arith.constant 7 : i32
        %add3A_276 = arith.addi %mul3A_274, %add3A_275 : i32
        %mul3A_277 = arith.constant 16 : i32
        %mul3A_278 = arith.muli %add3A_276, %mul3A_277 : i32
        %add3A_279 = arith.constant 12288 : i32
        %add3A_280 = arith.addi %add3A_279, %mul3A_278 : i32
        %get3A_281 = arith.index_cast %add3A_280 : i32 to index
        %get3A_282 = tpu.vector_load %arg6[%get3A_281] {strides = array<i32>} : memref<16384xi32, #tpu.memory_space<vmem>>, vector<16xi32>,
        %gather3A_283 = tpu.vector_load_idx %arg5[%get3A_282] : memref<100000xf32, #tpu.memory_space<vmem>>[vector<16xi32>], vector<16xf32>,
        %swap3A_284 = arith.index_cast %mul3A_278 : i32 to index
        %swap3A_285 = tpu.vector_load %arg8[%swap3A_284] {strides = array<i32>} : memref<4096xf32, #tpu.memory_space<vmem>>, vector<16xf32>,
        tpu.vector_store %arg8[%swap3A_284], %gather3A_283 {strides = array<i32>} : memref<4096xf32, #tpu.memory_space<vmem>>, vector<16xf32>,
        %mul3A_286 = arith.constant 16 : i32
        %mul3A_287 = arith.muli %scan3A_184, %mul3A_286 : i32
        %add3A_288 = arith.constant 8 : i32
        %add3A_289 = arith.addi %mul3A_287, %add3A_288 : i32
        %mul3A_290 = arith.constant 16 : i32
        %mul3A_291 = arith.muli %add3A_289, %mul3A_290 : i32
        %add3A_292 = arith.constant 12288 : i32
        %add3A_293 = arith.addi %add3A_292, %mul3A_291 : i32
        %get3A_294 = arith.index_cast %add3A_293 : i32 to index
        %get3A_295 = tpu.vector_load %arg6[%get3A_294] {strides = array<i32>} : memref<16384xi32, #tpu.memory_space<vmem>>, vector<16xi32>,
        %gather3A_296 = tpu.vector_load_idx %arg5[%get3A_295] : memref<100000xf32, #tpu.memory_space<vmem>>[vector<16xi32>], vector<16xf32>,
        %swap3A_297 = arith.index_cast %mul3A_291 : i32 to index
        %swap3A_298 = tpu.vector_load %arg8[%swap3A_297] {strides = array<i32>} : memref<4096xf32, #tpu.memory_space<vmem>>, vector<16xf32>,
        tpu.vector_store %arg8[%swap3A_297], %gather3A_296 {strides = array<i32>} : memref<4096xf32, #tpu.memory_space<vmem>>, vector<16xf32>,
        %mul3A_299 = arith.constant 16 : i32
        %mul3A_300 = arith.muli %scan3A_184, %mul3A_299 : i32
        %add3A_301 = arith.constant 9 : i32
        %add3A_302 = arith.addi %mul3A_300, %add3A_301 : i32
        %mul3A_303 = arith.constant 16 : i32
        %mul3A_304 = arith.muli %add3A_302, %mul3A_303 : i32
        %add3A_305 = arith.constant 12288 : i32
        %add3A_306 = arith.addi %add3A_305, %mul3A_304 : i32
        %get3A_307 = arith.index_cast %add3A_306 : i32 to index
        %get3A_308 = tpu.vector_load %arg6[%get3A_307] {strides = array<i32>} : memref<16384xi32, #tpu.memory_space<vmem>>, vector<16xi32>,
        %gather3A_309 = tpu.vector_load_idx %arg5[%get3A_308] : memref<100000xf32, #tpu.memory_space<vmem>>[vector<16xi32>], vector<16xf32>,
        %swap3A_310 = arith.index_cast %mul3A_304 : i32 to index
        %swap3A_311 = tpu.vector_load %arg8[%swap3A_310] {strides = array<i32>} : memref<4096xf32, #tpu.memory_space<vmem>>, vector<16xf32>,
        tpu.vector_store %arg8[%swap3A_310], %gather3A_309 {strides = array<i32>} : memref<4096xf32, #tpu.memory_space<vmem>>, vector<16xf32>,
        %mul3A_312 = arith.constant 16 : i32
        %mul3A_313 = arith.muli %scan3A_184, %mul3A_312 : i32
        %add3A_314 = arith.constant 10 : i32
        %add3A_315 = arith.addi %mul3A_313, %add3A_314 : i32
        %mul3A_316 = arith.constant 16 : i32
        %mul3A_317 = arith.muli %add3A_315, %mul3A_316 : i32
        %add3A_318 = arith.constant 12288 : i32
        %add3A_319 = arith.addi %add3A_318, %mul3A_317 : i32
        %get3A_320 = arith.index_cast %add3A_319 : i32 to index
        %get3A_321 = tpu.vector_load %arg6[%get3A_320] {strides = array<i32>} : memref<16384xi32, #tpu.memory_space<vmem>>, vector<16xi32>,
        %gather3A_322 = tpu.vector_load_idx %arg5[%get3A_321] : memref<100000xf32, #tpu.memory_space<vmem>>[vector<16xi32>], vector<16xf32>,
        %swap3A_323 = arith.index_cast %mul3A_317 : i32 to index
        %swap3A_324 = tpu.vector_load %arg8[%swap3A_323] {strides = array<i32>} : memref<4096xf32, #tpu.memory_space<vmem>>, vector<16xf32>,
        tpu.vector_store %arg8[%swap3A_323], %gather3A_322 {strides = array<i32>} : memref<4096xf32, #tpu.memory_space<vmem>>, vector<16xf32>,
        %mul3A_325 = arith.constant 16 : i32
        %mul3A_326 = arith.muli %scan3A_184, %mul3A_325 : i32
        %add3A_327 = arith.constant 11 : i32
        %add3A_328 = arith.addi %mul3A_326, %add3A_327 : i32
        %mul3A_329 = arith.constant 16 : i32
        %mul3A_330 = arith.muli %add3A_328, %mul3A_329 : i32
        %add3A_331 = arith.constant 12288 : i32
        %add3A_332 = arith.addi %add3A_331, %mul3A_330 : i32
        %get3A_333 = arith.index_cast %add3A_332 : i32 to index
        %get3A_334 = tpu.vector_load %arg6[%get3A_333] {strides = array<i32>} : memref<16384xi32, #tpu.memory_space<vmem>>, vector<16xi32>,
        %gather3A_335 = tpu.vector_load_idx %arg5[%get3A_334] : memref<100000xf32, #tpu.memory_space<vmem>>[vector<16xi32>], vector<16xf32>,
        %swap3A_336 = arith.index_cast %mul3A_330 : i32 to index
        %swap3A_337 = tpu.vector_load %arg8[%swap3A_336] {strides = array<i32>} : memref<4096xf32, #tpu.memory_space<vmem>>, vector<16xf32>,
        tpu.vector_store %arg8[%swap3A_336], %gather3A_335 {strides = array<i32>} : memref<4096xf32, #tpu.memory_space<vmem>>, vector<16xf32>,
        %mul3A_338 = arith.constant 16 : i32
        %mul3A_339 = arith.muli %scan3A_184, %mul3A_338 : i32
        %add3A_340 = arith.constant 12 : i32
        %add3A_341 = arith.addi %mul3A_339, %add3A_340 : i32
        %mul3A_342 = arith.constant 16 : i32
        %mul3A_343 = arith.muli %add3A_341, %mul3A_342 : i32
        %add3A_344 = arith.constant 12288 : i32
        %add3A_345 = arith.addi %add3A_344, %mul3A_343 : i32
        %get3A_346 = arith.index_cast %add3A_345 : i32 to index
        %get3A_347 = tpu.vector_load %arg6[%get3A_346] {strides = array<i32>} : memref<16384xi32, #tpu.memory_space<vmem>>, vector<16xi32>,
        %gather3A_348 = tpu.vector_load_idx %arg5[%get3A_347] : memref<100000xf32, #tpu.memory_space<vmem>>[vector<16xi32>], vector<16xf32>,
        %swap3A_349 = arith.index_cast %mul3A_343 : i32 to index
        %swap3A_350 = tpu.vector_load %arg8[%swap3A_349] {strides = array<i32>} : memref<4096xf32, #tpu.memory_space<vmem>>, vector<16xf32>,
        tpu.vector_store %arg8[%swap3A_349], %gather3A_348 {strides = array<i32>} : memref<4096xf32, #tpu.memory_space<vmem>>, vector<16xf32>,
        %mul3A_351 = arith.constant 16 : i32
        %mul3A_352 = arith.muli %scan3A_184, %mul3A_351 : i32
        %add3A_353 = arith.constant 13 : i32
        %add3A_354 = arith.addi %mul3A_352, %add3A_353 : i32
        %mul3A_355 = arith.constant 16 : i32
        %mul3A_356 = arith.muli %add3A_354, %mul3A_355 : i32
        %add3A_357 = arith.constant 12288 : i32
        %add3A_358 = arith.addi %add3A_357, %mul3A_356 : i32
        %get3A_359 = arith.index_cast %add3A_358 : i32 to index
        %get3A_360 = tpu.vector_load %arg6[%get3A_359] {strides = array<i32>} : memref<16384xi32, #tpu.memory_space<vmem>>, vector<16xi32>,
        %gather3A_361 = tpu.vector_load_idx %arg5[%get3A_360] : memref<100000xf32, #tpu.memory_space<vmem>>[vector<16xi32>], vector<16xf32>,
        %swap3A_362 = arith.index_cast %mul3A_356 : i32 to index
        %swap3A_363 = tpu.vector_load %arg8[%swap3A_362] {strides = array<i32>} : memref<4096xf32, #tpu.memory_space<vmem>>, vector<16xf32>,
        tpu.vector_store %arg8[%swap3A_362], %gather3A_361 {strides = array<i32>} : memref<4096xf32, #tpu.memory_space<vmem>>, vector<16xf32>,
        %mul3A_364 = arith.constant 16 : i32
        %mul3A_365 = arith.muli %scan3A_184, %mul3A_364 : i32
        %add3A_366 = arith.constant 14 : i32
        %add3A_367 = arith.addi %mul3A_365, %add3A_366 : i32
        %mul3A_368 = arith.constant 16 : i32
        %mul3A_369 = arith.muli %add3A_367, %mul3A_368 : i32
        %add3A_370 = arith.constant 12288 : i32
        %add3A_371 = arith.addi %add3A_370, %mul3A_369 : i32
        %get3A_372 = arith.index_cast %add3A_371 : i32 to index
        %get3A_373 = tpu.vector_load %arg6[%get3A_372] {strides = array<i32>} : memref<16384xi32, #tpu.memory_space<vmem>>, vector<16xi32>,
        %gather3A_374 = tpu.vector_load_idx %arg5[%get3A_373] : memref<100000xf32, #tpu.memory_space<vmem>>[vector<16xi32>], vector<16xf32>,
        %swap3A_375 = arith.index_cast %mul3A_369 : i32 to index
        %swap3A_376 = tpu.vector_load %arg8[%swap3A_375] {strides = array<i32>} : memref<4096xf32, #tpu.memory_space<vmem>>, vector<16xf32>,
        tpu.vector_store %arg8[%swap3A_375], %gather3A_374 {strides = array<i32>} : memref<4096xf32, #tpu.memory_space<vmem>>, vector<16xf32>,
        %mul3A_377 = arith.constant 16 : i32
        %mul3A_378 = arith.muli %scan3A_184, %mul3A_377 : i32
        %add3A_379 = arith.constant 15 : i32
        %add3A_380 = arith.addi %mul3A_378, %add3A_379 : i32
        %mul3A_381 = arith.constant 16 : i32
        %mul3A_382 = arith.muli %add3A_380, %mul3A_381 : i32
        %add3A_383 = arith.constant 12288 : i32
        %add3A_384 = arith.addi %add3A_383, %mul3A_382 : i32
        %get3A_385 = arith.index_cast %add3A_384 : i32 to index
        %get3A_386 = tpu.vector_load %arg6[%get3A_385] {strides = array<i32>} : memref<16384xi32, #tpu.memory_space<vmem>>, vector<16xi32>,
        %gather3A_387 = tpu.vector_load_idx %arg5[%get3A_386] : memref<100000xf32, #tpu.memory_space<vmem>>[vector<16xi32>], vector<16xf32>,
        %swap3A_388 = arith.index_cast %mul3A_382 : i32 to index
        %swap3A_389 = tpu.vector_load %arg8[%swap3A_388] {strides = array<i32>} : memref<4096xf32, #tpu.memory_space<vmem>>, vector<16xf32>,
        tpu.vector_store %arg8[%swap3A_388], %gather3A_387 {strides = array<i32>} : memref<4096xf32, #tpu.memory_space<vmem>>, vector<16xf32>,
      }
      %scan3A_177 = arith.constant 16 : i32
      %dma_start3A_178 = arith.constant 12288 : i32
      %dma_start3A_179 = tpu.memref_slice %arg4[%select_n3A_94, %select_n3A_110, %dma_start3A_178] : memref<26x32x16384xf32, #tpu.memory_space<hbm>> -> memref<1x1x4096xf32, #tpu.memory_space<hbm>>
      %dma_start3A_180 = tpu.memref_squeeze %dma_start3A_179 : memref<1x1x4096xf32, #tpu.memory_space<hbm>> -> memref<4096xf32, #tpu.memory_space<hbm>>
      %dma_start3A_181 = arith.constant 12288 : i32
      %dma_start3A_182 = tpu.memref_slice %arg4[%select_n3A_94, %select_n3A_110, %dma_start3A_181] : memref<26x32x16384xf32, #tpu.memory_space<hbm>> -> memref<1x1x4096xf32, #tpu.memory_space<hbm>>
      %dma_start3A_183 = tpu.memref_squeeze %dma_start3A_182 : memref<1x1x4096xf32, #tpu.memory_space<hbm>> -> memref<4096xf32, #tpu.memory_space<hbm>>
      tpu.enqueue_dma source(%arg8 : memref<4096xf32, #tpu.memory_space<vmem>>) target(%dma_start3A_183 : memref<4096xf32, #tpu.memory_space<hbm>>) target_semaphore(%arg10 : memref<!tpu.dma_semaphore, #tpu.memory_space<semaphore_mem>>)
      scf.yield %select_n3A_94 : i32
    }
    %scan3A_6 = arith.constant 26 : i32
    %mul3A_7 = arith.constant 26 : i32
    %mul3A_8 = arith.muli %add3A, %mul3A_7 : i32
    %add3A_9 = arith.constant 26 : i32
    %add3A_10 = arith.addi %mul3A_8, %add3A_9 : i32
    %sub3A = arith.constant 1 : i32
    %sub3A_11 = arith.subi %add3A_10, %sub3A : i32
    %jit3A = arith.constant 32 : i32
    %div3A = arith.divsi %sub3A_11, %jit3A : i32
    %sign3A = arith.constant 0 : i32
    %sign3A_12 = arith.cmpi sgt, %sub3A_11, %sign3A : i32
    %sign3A_13 = arith.extui %sign3A_12 : i1 to i32
    %sign3A_14 = arith.constant 0 : i32
    %sign3A_15 = arith.cmpi slt, %sub3A_11, %sign3A_14 : i32
    %sign3A_16 = arith.extui %sign3A_15 : i1 to i32
    %sign3A_17 = arith.subi %sign3A_13, %sign3A_16 : i32
    %sign3A_18 = arith.constant 0 : i32
    %sign3A_19 = arith.cmpi sgt, %jit3A, %sign3A_18 : i32
    %sign3A_20 = arith.extui %sign3A_19 : i1 to i32
    %sign3A_21 = arith.constant 0 : i32
    %sign3A_22 = arith.cmpi slt, %jit3A, %sign3A_21 : i32
    %sign3A_23 = arith.extui %sign3A_22 : i1 to i32
    %sign3A_24 = arith.subi %sign3A_20, %sign3A_23 : i32
    %ne3A = arith.cmpi ne, %sign3A_17, %sign3A_24 : i32
    %rem3A = arith.remsi %sub3A_11, %jit3A : i32
    %ne3A_25 = arith.constant 0 : i32
    %ne3A_26 = arith.cmpi ne, %rem3A, %ne3A_25 : i32
    %and3A = arith.andi %ne3A, %ne3A_26 : i1
    %sub3A_27 = arith.constant 1 : i32
    %sub3A_28 = arith.subi %div3A, %sub3A_27 : i32
    %select_n3A = arith.select %and3A, %sub3A_28, %div3A : i32
    %jit3A_29 = arith.constant 32 : i32
    %eq3A = arith.constant 0 : i32
    %eq3A_30 = arith.cmpi eq, %jit3A_29, %eq3A : i32
    %jit3A_31 = arith.constant 1 : i32
    %select_n3A_32 = arith.select %eq3A_30, %jit3A_31, %jit3A_29 : i32
    %rem3A_33 = arith.remsi %sub3A_11, %select_n3A_32 : i32
    %ne3A_34 = arith.constant 0 : i32
    %ne3A_35 = arith.cmpi ne, %rem3A_33, %ne3A_34 : i32
    %lt3A = arith.constant 0 : i32
    %lt3A_36 = arith.cmpi slt, %rem3A_33, %lt3A : i32
    %lt3A_37 = arith.constant 0 : i32
    %lt3A_38 = arith.cmpi slt, %select_n3A_32, %lt3A_37 : i32
    %ne3A_39 = arith.xori %lt3A_36, %lt3A_38 : i1
    %and3A_40 = arith.andi %ne3A_39, %ne3A_35 : i1
    %add3A_41 = arith.addi %rem3A_33, %select_n3A_32 : i32
    %select_n3A_42 = arith.select %and3A_40, %add3A_41, %rem3A_33 : i32
    %dma_wait3A = arith.constant 8192 : i32
    %dma_wait3A_43 = tpu.memref_slice %arg4[%select_n3A, %select_n3A_42, %dma_wait3A] : memref<26x32x16384xf32, #tpu.memory_space<hbm>> -> memref<1x1x4096xf32, #tpu.memory_space<hbm>>
    %dma_wait3A_44 = tpu.memref_squeeze %dma_wait3A_43 : memref<1x1x4096xf32, #tpu.memory_space<hbm>> -> memref<4096xf32, #tpu.memory_space<hbm>>
    %dma_wait3A_45 = arith.constant 8192 : i32
    %dma_wait3A_46 = tpu.memref_slice %arg4[%select_n3A, %select_n3A_42, %dma_wait3A_45] : memref<26x32x16384xf32, #tpu.memory_space<hbm>> -> memref<1x1x4096xf32, #tpu.memory_space<hbm>>
    %dma_wait3A_47 = tpu.memref_squeeze %dma_wait3A_46 : memref<1x1x4096xf32, #tpu.memory_space<hbm>> -> memref<4096xf32, #tpu.memory_space<hbm>>
    tpu.wait_dma2 semaphore(%arg9 : memref<!tpu.dma_semaphore, #tpu.memory_space<semaphore_mem>>) src(%arg7 : memref<4096xf32, #tpu.memory_space<vmem>>) dst(%dma_wait3A_47 : memref<4096xf32, #tpu.memory_space<hbm>>)
    %dma_wait3A_48 = arith.constant 12288 : i32
    %dma_wait3A_49 = tpu.memref_slice %arg4[%select_n3A, %select_n3A_42, %dma_wait3A_48] : memref<26x32x16384xf32, #tpu.memory_space<hbm>> -> memref<1x1x4096xf32, #tpu.memory_space<hbm>>
    %dma_wait3A_50 = tpu.memref_squeeze %dma_wait3A_49 : memref<1x1x4096xf32, #tpu.memory_space<hbm>> -> memref<4096xf32, #tpu.memory_space<hbm>>
    %dma_wait3A_51 = arith.constant 12288 : i32
    %dma_wait3A_52 = tpu.memref_slice %arg4[%select_n3A, %select_n3A_42, %dma_wait3A_51] : memref<26x32x16384xf32, #tpu.memory_space<hbm>> -> memref<1x1x4096xf32, #tpu.memory_space<hbm>>
    %dma_wait3A_53 = tpu.memref_squeeze %dma_wait3A_52 : memref<1x1x4096xf32, #tpu.memory_space<hbm>> -> memref<4096xf32, #tpu.memory_space<hbm>>
    tpu.wait_dma2 semaphore(%arg10 : memref<!tpu.dma_semaphore, #tpu.memory_space<semaphore_mem>>) src(%arg8 : memref<4096xf32, #tpu.memory_space<vmem>>) dst(%dma_wait3A_53 : memref<4096xf32, #tpu.memory_space<hbm>>)
    return
  }
}

</mosaic_0001>

<sc_bundles>
// kernel: kernel.3.cloned.1.call-start
scs
__scs_entry_jumppad:
0x0: {  	(pc) =	sbr.rel $0x88, $3  }
0x1: {  	(tag) =	ssettag $0x0;
	lr =	simm.s32 $0x1  }
0x2: {  	[smem:$0x3F9F] =	sst lr;
	_ =	strace $0xD0000000  }
0x3: {  	_ = 	snop  }
0x4: {  	_ = 	snop  }
0x5: {  	_ = 	snop  }
0x6: {  	_ = 	snop  }
0x7: {  	_ = 	snop  }
__scs_overlays_trampoline_lowered:
0x8: {  	[smem:$0x3FAE] =	sst s0  }
0x9: {  	[smem:$0x3FAF] =	sst s1  }
0xa: {  	[smem:$0x3FB0] =	sst s2  }
0xb: {  	[smem:$0x3FB1] =	sst s3  }
0xc: {  	[smem:$0x3FB2] =	sst s4  }
0xd: {  	[smem:$0x3FB3] =	sst s5  }
0xe: {  	[smem:$0x3FB4] =	sst s6  }
0xf: {  	[smem:$0x3FB5] =	sst s7  }
0x10: {  	[smem:$0x3FB6] =	sst s8  }
0x11: {  	[smem:$0x3FB7] =	sst s9;
	s0 =	simm.s32 @!p0 $0x0  }
0x12: {  	s1 =	sld [smem:$0x3F9D];
	s0 =	simm.s32 @p0 $0x1  }
0x13: {  	[smem:$0x3FB8] =	sst s0;
	s0 =	simm.s32 @!p1 $0x0  }
0x14: {  	s2 =	sld [smem:$0x3F9C];
	s0 =	simm.s32 @p1 $0x1  }
0x15: {  	[smem:$0x3FB9] =	sst s0;
	s0 =	simm.s32 @!p2 $0x0  }
0x16: {  	s3 =	sld [smem:$0x3FDB];
	s0 =	simm.s32 @p2 $0x1  }
0x17: {  	s4 =	simm.s32 $0x1BF5;
	[smem:$0x3FBB] =	sst s0  }
0x18: {  	s0 =	sld [smem:$0x3F9E];
	_ =	swait.ge [sflag:s4], $0x0  }
0x19: {  	s7 =	sld [smem:$0x3F9F]  }
0x1a: {  	s8 =	sadd.s32 $0xFFFFE003, lr  }
0x1b: {  	s9 =	sadd.s32 $0xFFFFFEF7, lr;
	s5 =	simm.s32 $0xFFFFFFFF;
	p2 =	slt.u32 s8, $0xFFFFF086  }
0x1c: {  	p1 =	slt.u32 s9, $0xF7A;
	s5 =	simm.s32 @!p2 $0x0  }
0x1d: {  	s5 =	simm.s32 @p1 $0x1;
	p0 =	seq.s32 s7, s2  }
0x1e: {  	s7 =	smul.u32 @!p0 $0xF7A, s2;
	p2 =	seq.s32 @!p0 s5, $0x0  }
0x1f: {  	s9 =	smul.u32 $0xF7A, s1;
	s8 =	simm.s32 @!p0 $0x1BF5;
	p2 =	por !p2, p0  }
0x20: {  	[sflag:s8] =	ssyncset.s32 @!p0 $0xFFFFF086;
	s6 =	sadd.s32 @!p0 s3, s7;
	s7 =	simm.s32 @!p0 $0x108  }
0x21: {  	s3 =	sadd.s32 s3, s9;
	s6 =	sadd.s32 @!p0 $0x88, s6;
	s7 =	simm.s32 @p2 $0x1082  }
0x22: {  	[simem:s7], [sflag:s8] =	dma.local @!p0 [hbm:s6], $0xF7A  }
0x23: {  	s9 =	sor.u32 $0xD0000000, s2;
	s6 =	simm.s32 $0x108;
	_ =	swait.ge @!p0 [sflag:s8], $0x0  }
0x24: {  	s3 =	sadd.s32 $0x88, s3;
	s6 =	simm.s32 @!p1 $0x1082;
	[sflag:s4] =	ssyncset.s32 $0xFFFFF086  }
0x25: {  	[simem:s6], [sflag:s4] =	dma.local [hbm:s3], $0xF7A  }
0x26: {  	[smem:$0x3F9F] =	sst s1;
	(tag) =	ssettag s2;
	_ =	strace s9  }
0x27: {  	s1 =	sld [smem:$0x3FAF]  }
0x28: {  	s2 =	sld [smem:$0x3FB0]  }
0x29: {  	s4 =	sld [smem:$0x3FB2]  }
0x2a: {  	p0 =	seq.s32 s5, $0x0;
	s5 =	sld [smem:$0x3FB3]  }
0x2b: {  	s6 =	sld [smem:$0x3FB4]  }
0x2c: {  	s7 =	sld [smem:$0x3FB5]  }
0x2d: {  	s3 =	simm.s32 $0x108;
	s8 =	sld [smem:$0x3FB6]  }
0x2e: {  	s3 =	simm.s32 @!p0 $0x1082;
	s9 =	sld [smem:$0x3FB7]  }
0x2f: {  	lr =	sadd.s32 s0, s3;
	s0 =	sld [smem:$0x3FAE]  }
0x30: {  	s3 =	sld [smem:$0x3FB1]  }
0x31: {  	[smem:$0x3FBA] =	sst s10  }
0x32: {  	s10 =	sld [smem:$0x3FB8];
	_ =	sdelay $0x3  }
0x33: {  	p0 =	seq.s32 s10, $0x1;
	s10 =	sld [smem:$0x3FBA];
	_ =	sdelay $0x3  }
0x34: {  	[smem:$0x3FBA] =	sst s10  }
0x35: {  	s10 =	sld [smem:$0x3FB9];
	_ =	sdelay $0x3  }
0x36: {  	p1 =	seq.s32 s10, $0x1;
	s10 =	sld [smem:$0x3FBA];
	_ =	sdelay $0x3  }
0x37: {  	[smem:$0x3FBA] =	sst s10  }
0x38: {  	s10 =	sld [smem:$0x3FBB]  }
0x39: {  	_ = 	snop;
	(pc) =	sbr.ind lr, $3  }
0x3a: {  	_ = 	snop  }
0x3b: {  	_ = 	snop  }
0x3c: {  	p2 =	seq.s32 s10, $0x1;
	s10 =	sld [smem:$0x3FBA]  }
0x3d: {  	_ =	shalt  }
0x3e: {  	_ =	shalt  }
0x3f: {  	_ =	shalt  }
0x40: {  	_ =	shalt  }
0x41: {  	_ =	shalt  }
0x42: {  	_ =	shalt  }
0x43: {  	_ =	shalt  }
0x44: {  	_ =	shalt  }
0x45: {  	_ =	shalt  }
0x46: {  	_ =	shalt  }
0x47: {  	_ =	shalt  }
0x48: {  	_ =	shalt  }
0x49: {  	_ =	shalt  }
0x4a: {  	_ =	shalt  }
0x4b: {  	_ =	shalt  }
0x4c: {  	_ =	shalt  }
0x4d: {  	_ =	shalt  }
0x4e: {  	_ =	shalt  }
0x4f: {  	_ =	shalt  }
0x50: {  	_ =	shalt  }
0x51: {  	_ =	shalt  }
0x52: {  	_ =	shalt  }
0x53: {  	_ =	shalt  }
0x54: {  	_ =	shalt  }
0x55: {  	_ =	shalt  }
0x56: {  	_ =	shalt  }
0x57: {  	_ =	shalt  }
0x58: {  	_ =	shalt  }
0x59: {  	_ =	shalt  }
0x5a: {  	_ =	shalt  }
0x5b: {  	_ =	shalt  }
0x5c: {  	_ =	shalt  }
0x5d: {  	_ =	shalt  }
0x5e: {  	_ =	shalt  }
0x5f: {  	_ =	shalt  }
0x60: {  	_ =	shalt  }
0x61: {  	_ =	shalt  }
0x62: {  	_ =	shalt  }
0x63: {  	_ =	shalt  }
0x64: {  	_ =	shalt  }
0x65: {  	_ =	shalt  }
0x66: {  	_ =	shalt  }
0x67: {  	_ =	shalt  }
0x68: {  	_ =	shalt  }
0x69: {  	_ =	shalt  }
0x6a: {  	_ =	shalt  }
0x6b: {  	_ =	shalt  }
0x6c: {  	_ =	shalt  }
0x6d: {  	_ =	shalt  }
0x6e: {  	_ =	shalt  }
0x6f: {  	_ =	shalt  }
0x70: {  	_ =	shalt  }
0x71: {  	_ =	shalt  }
0x72: {  	_ =	shalt  }
0x73: {  	_ =	shalt  }
0x74: {  	_ =	shalt  }
0x75: {  	_ =	shalt  }
0x76: {  	_ =	shalt  }
0x77: {  	_ =	shalt  }
0x78: {  	_ =	shalt  }
0x79: {  	_ =	shalt  }
0x7a: {  	_ =	shalt  }
0x7b: {  	_ =	shalt  }
0x7c: {  	_ =	shalt  }
0x7d: {  	_ =	shalt  }
0x7e: {  	_ =	shalt  }
0x7f: {  	_ =	shalt  }
0x80: {  	_ =	shalt  }
0x81: {  	_ =	shalt  }
0x82: {  	_ =	shalt  }
0x83: {  	_ =	shalt  }
0x84: {  	_ =	shalt  }
0x85: {  	_ =	shalt  }
0x86: {  	_ =	shalt  }
0x87: {  	_ =	shalt  }
.Lfunc_end0:
.L_simem_size_0:
called_computation_lowered:
.L_overlay_start_0:
0x88: {  	s2 =	sld [smem:$0x3FD9]  }
0x89: {  	s3 =	sld [smem:$0x3FFE];
	_ =	sdelay $0x1  }
0x8a: {  	s1 =	srdreg.scid  }
0x8b: {  	s0 =	sand.u32 $0x1, s1  }
0x8c: {  	s18 =	sshll.u32 s0, $0xA;
	s2 =	sadd.s32 s3, s2  }
0x8d: {  	s2 =	sadd.s32 s2, s18  }
0x8e: {  	[smem:$0x3FC6] =	sst s2  }
0x8f: {  	_ = 	snop  }
0x90: {  	s2 =	sld [smem:$0x3FC9]  }
0x91: {  	s19 =	sld [smem:$0x3FC8]  }
0x92: {  	s4 =	sld [smem:$0x3FD0];
	(tm) =	ssettm $0x1  }
0x93: {  	s5 =	sld [smem:$0x3FFB];
	_ =	sdelay $0x3  }
0x94: {  	_ =	strace s5  }
0x95: {  	s5 =	sld [smem:$0x3FFC];
	_ =	sdelay $0x3  }
0x96: {  	_ =	strace s5  }
0x97: {  	s5 =	sld [smem:$0x3FFD];
	_ =	sdelay $0x3  }
0x98: {  	_ =	strace s5  }
0x99: {  	_ =	strace $0x8FFFFFFF  }
0x9a: {  	s20 =	sld [smem:$0x3FDB];
	_ =	sdelay $0x1  }
0x9b: {  	s6 =	simm.s32 $_scs_section_size  }
0x9c: {  	s7 =	simm.s32 $_size__tile_overlayer_lowered;
	s8 =	simm.s32 $_tile_overlayer_lowered  }
0x9d: {  	s23 =	simm.s32 $0x1BFF;
	s22 =	sshll.u32 s8, $0x1;
	s5 =	sadd.s32 s6, s20  }
0x9e: {  	s9 =	simm.s32 $0x0;
	s21 =	sshll.u32 s7, $0x1;
	s7 =	sadd.s32 s22, s5  }
0x9f: {  	[timem:s9], [sflag:s23] =	dma.local [hbm:s7], s21  }
0xa0: {  	_ =	swait.ge [sflag:s23], s21  }
0xa1: {  	s6 =	ssub.s32 $0x0, s21;
	[sflag:s23] =	ssyncset.done $0x0  }
0xa2: {  	[sflag:s23] =	ssyncadd.s32 s6;
	_ =	sdelay $0x1  }
0xa3: {  	s24 =	simm.s32 $0x1B8B  }
0xa4: {  	_ =	swait.ge [sflag:s24], $0x1  }
0xa5: {  	[sflag:s24] =	ssyncset.done $0x0  }
0xa6: {  	s25 =	simm.s32 $0x1B8E;
	[sflag:s24] =	ssyncadd.s32 $0xFFFFFFFF  }
0xa7: {  	s26 =	simm.s32 $execute0_lowered;
	[smem:$0x3FD2] =	sst s25  }
0xa8: {  	s6 =	sshll.u32 s26, $0x1;
	_ =	strace $0x80000046;
	[dreg:$0x1] =	wrdreg $0xFFFFFFFF  }
0xa9: {  	s28 =	simm.s32 $_size_execute0_lowered;
	s5 =	sadd.s32 s5, s6;
	[dreg:$0x0] =	wrdreg $0x0  }
0xaa: {  	s6 =	sshll.u32 s28, $0x1;
	[dreg:$0x2] =	wrdreg s5  }
0xab: {  	[dreg:$0x3] =	wrdreg s6  }
0xac: {  	[dreg:$0x4] =	wrdreg $0xC0  }
0xad: {  	_ =	task [dreg:s9], $0x5FFFF  }
0xae: {  	[dreg:$0x1] =	wrdreg $0xFFFFFFFF  }
0xaf: {  	[dreg:$0x0] =	wrdreg $0x60  }
0xb0: {  	[dreg:$0x2] =	wrdreg s2  }
0xb1: {  	[dreg:$0x3] =	wrdreg s19  }
0xb2: {  	[dreg:$0x4] =	wrdreg s4  }
0xb3: {  	[dreg:$0x5] =	wrdreg $0x9  }
0xb4: {  	_ =	task.clear_ibuf [dreg:s9], $0x6FFFF;
	_ =	strace $0x90000046  }
0xb5: {  	s29 =	simm.s32 $0x9;
	_ =	strace $0x80000048  }
0xb6: {  	_ =	swait.ge [sflag:s29], $0x1  }
0xb7: {  	[sflag:s29] =	ssyncadd.s32 $0xFFFFFFFF  }
0xb8: {  	_ =	strace $0x90000048  }
0xb9: {  	_ =	sfence  }
0xba: {  	s30 =	sld [smem:$0x0];
	_ =	sdelay $0x2  }
0xbb: {  	s31 =	sshll.u32 s1, $0xD;
	s1 =	sshrl.u32 s1, $0x2  }
0xbc: {  	s3 =	sand.u32 $0x4000, s31;
	s1 =	sadd.s32 s1, s30  }
0xbd: {  	s0 =	sor.u32 s3, s0;
	s1 =	sshll.u32 s1, $0x11  }
0xbe: {  	s0 =	sor.u32 s1, s0  }
0xbf: {  	s0 =	sadd.s32 $0x8F2B, s0  }
0xc0: {  	[sflag:s0] =	ssyncadd.remote.s32 $0x1  }
0xc1: {  	_ =	sfence.sel $0xFFFF  }
0xc2: {  	[dreg:$0x0] =	wrdreg $0xFFFFFFFF;
	(pc) =	sbr.abs _section_cstart, $3  }
0xc3: {  	[dreg:$0x1] =	wrdreg $0xFFFFFFFF  }
0xc4: {  	_ =	task.clear_ibuf [dreg:s9], $0x2FFFF;
	_ =	strace $0x9FFFFFFF  }
0xc5: {  	(tm) =	ssettm $0x7FFFFFFF  }
tec
execute0_lowered:
.L_overlay_start_1:
0x0: {  	(tag) =	ssettag $0x1  }
0x1: {  	s1 =	rddreg [dreg:$0x0]  }
0x2: {  	s3 =	rddreg [dreg:$0x1]  }
0x3: {  	s4 =	rddreg [dreg:$0x2];
	s5 =	srdreg.scid  }
0x4: {  	s0 =	rddreg [dreg:$0x3];
	s2 =	stileid.u32;
	s12 =	simm.s32 $0x1  }
0x5: {  	s13 =	simm.s32 $0x80;
	s14 =	simm.s32 $0x400;
	s15 =	simm.s32 $0x4  }
0x6: {  	s16 =	simm.s32 $0x1C700;
	s17 =	simm.s32 $0x1D700;
	s18 =	simm.s32 $0x2  }
0x7: {  	s19 =	simm.s32 $0x0;
	s6 =	sand.u32 $0x1, s5;
	s5 =	simm.s32 $0x0  }
0x8: {  	s8 =	sshll.u32 s2, $0x1;
	s10 =	sadd.s32 $0x3000, s4;
	s7 =	ssub.s32 $0x2, s6  }
0x9: {  	[smem:$0x7FF] =	sst s5;
	s6 =	sor.u32 s6, s8;
	s9 =	sshrl.u32 s7, $0x1  }
0xa: {  	s8 =	sadd.s32 $0x1000, s4;
	_ =	strace $0x80000047;
	s11 =	ssub.s32 s7, s9  }
0xb: {  	s7 =	smul.u32 $0x1A, s6;
	s9 =	sadd.s32 $0x2000, s4;
	s11 =	smax.u32 s11, $0x1  }
.LBB2_1:
0xc: {  	s21 =	simm.s32 $0xFFFFFFFF;
	s20 =	simm.s32 $0x0  }
.LBB2_2:
0xd: {  	s22 =	sadd.s32 s6, s20  }
0xe: {  	s23 =	simm.s32 $0x0;
	p0 =	slt.u32 s22, $0x1A  }
0xf: {  	s23 =	simm.s32 @!p0 $0xFFFFFFE6  }
0x10: {  	s22 =	sadd.s32 s22, s23  }
0x11: {  	s23 =	simm.s32 $0x0;
	p0 =	slt.s32 s22, $0x1A  }
0x12: {  	s22 =	sadd.s32 s7, s22;
	s23 =	simm.s32 @!p0 $0xFFFFFFE6  }
0x13: {  	s23 =	sadd.s32 s23, s22  }
0x14: {  	s22 =	sshra.s32 s23, $0x1F  }
0x15: {  	s22 =	sshrl.u32 s22, $0x1B  }
0x16: {  	s22 =	sadd.s32 s22, s23  }
0x17: {  	s24 =	sand.u32 $0xFFFFFFE0, s22  }
0x18: {  	p6 =	slt.s32 s23, $0x1;
	p1 =	sne.s32 s23, s24  }
0x19: {  	p0 =	por !p6, !p1  }
0x1a: {  	s25 =	simm.s32 $0x1;
	p0 =	por !p0, !p0  }
0x1b: {  	s28 =	sshra.s32 s22, $0x5;
	s25 =	simm.s32 @!p0 $0x0  }
0x1c: {  	s26 =	smov.u32 s21;
	s21 =	ssub.s32 s28, s25  }
0x1d: {  	p1 =	seq.s32 s21, s26  }
0x1e: {  	s22 =	sshll.u32 @!p1 s21, $0xE;
	s25 =	sshll.u32 @!p1 s21, $0x7  }
0x1f: {  	s22 =	sand.u32 @!p1 $0xFFFE0000, s22;
	s25 =	sand.u32 @!p1 $0x380, s25  }
0x20: {  	s22 =	sor.u32 @!p1 s25, s22  }
0x21: {  	s29 =	sshrl.u32 s23, $0x3;
	s26 =	simm.s32 @!p1 $0x400;
	s22 =	sshrl.u32 @!p1 s22, $0x3  }
0x22: {  	s28 =	simm.s32 @!p1 $0x18700;
	s25 =	simm.s32 @!p1 $0x80;
	s22 =	sadd.s32 @!p1 s1, s22  }
0x23: {  	[tilespmem:s28], [sflag:$0x3] =	stream.strided.gather @!p1 [hbm4b:s22+s25], $0x4000, s26, s25, $0x38;
	[tilespmem:$0x1E700] =	vst v63  }
0x24: {  	s30 =	smul.u32 $0x30E000, s21;
	s22 =	sand.u32 $0x3, s29  }
0x25: {  	s23 =	ssub.s32 s23, s24;
	s31 =	smul.u32 $0xC3800, s22  }
0x26: {  	s23 =	sshll.u32 s23, $0x7  }
0x27: {  	s23 =	sand.u32 $0x380, s23;
	s24 =	sadd.s32 s31, s30  }
0x28: {  	s24 =	sor.u32 s23, s24  }
0x29: {  	s24 =	sshrl.u32 s24, $0x3  }
0x2a: {  	s24 =	sadd.s32 s3, s24  }
0x2b: {  	[tilespmem:s5], [sflag:$0x4] =	stream.strided.gather [hbm4b:s24+s13], $0x18700, s14, s13, $0x38;
	[tilespmem:$0x1E700] =	vst v63  }
0x2c: {  	_ =	swait.ge [sflag:s15], $0x18700  }
0x2d: {  	[sflag:s15] =	ssyncset.done $0x0  }
0x2e: {  	s24 =	simm.s32 @!p1 $0x3;
	[sflag:s15] =	ssyncadd.s32 $0xFFFE7900  }
0x2f: {  	_ =	swait.ge @!p1 [sflag:s24], $0x4000  }
0x30: {  	p0 =	seq.s32 s20, $0x0;
	[sflag:s24] =	ssyncset.done @!p1 $0x0  }
0x31: {  	[sflag:s24] =	ssyncadd.s32 @!p1 $0xFFFFC000;
	s24 =	simm.s32 @!p0 $0x1  }
0x32: {  	_ =	swait.ge @!p0 [sflag:s24], $0x1000  }
0x33: {  	[sflag:s24] =	ssyncset.done @!p0 $0x0  }
0x34: {  	[sflag:s24] =	ssyncadd.s32 @!p0 $0xFFFFF000;
	s24 =	simm.s32 $0x0  }
0x35: {  	v0 =	vld [tilespmem:s24+$0x18700];
	_ =	sdelay $0x5  }
0x36: {  	v1 =	vld [tilespmem:s24+$0x18710];
	_ =	sdelay $0x1  }
0x37: {  	v0 =	vld.idx.msk [tilespmem:v0+s5+$0x0], $0xffff;
	_ =	sdelay $0x4  }
0x38: {  	[tilespmem:s24+$0x1C700] =	vst v0;
	v0 =	vld [tilespmem:s24+$0x18720]  }
0x39: {  	v1 =	vld.idx.msk [tilespmem:v1+s5+$0x0], $0xffff;
	_ =	sdelay $0x4  }
0x3a: {  	[tilespmem:s24+$0x1C710] =	vst v1;
	v1 =	vld [tilespmem:s24+$0x18730];
	_ =	sdelay $0x1  }
0x3b: {  	v0 =	vld.idx.msk [tilespmem:v0+s5+$0x0], $0xffff;
	_ =	sdelay $0x4  }
0x3c: {  	[tilespmem:s24+$0x1C720] =	vst v0;
	v0 =	vld [tilespmem:s24+$0x18740]  }
0x3d: {  	v1 =	vld.idx.msk [tilespmem:v1+s5+$0x0], $0xffff;
	_ =	sdelay $0x4  }
0x3e: {  	[tilespmem:s24+$0x1C730] =	vst v1;
	v1 =	vld [tilespmem:s24+$0x18750];
	_ =	sdelay $0x1  }
0x3f: {  	v0 =	vld.idx.msk [tilespmem:v0+s5+$0x0], $0xffff;
	_ =	sdelay $0x4  }
0x40: {  	[tilespmem:s24+$0x1C740] =	vst v0;
	v0 =	vld [tilespmem:s24+$0x18760]  }
0x41: {  	v1 =	vld.idx.msk [tilespmem:v1+s5+$0x0], $0xffff;
	_ =	sdelay $0x4  }
0x42: {  	[tilespmem:s24+$0x1C750] =	vst v1;
	v1 =	vld [tilespmem:s24+$0x18770];
	_ =	sdelay $0x1  }
0x43: {  	v0 =	vld.idx.msk [tilespmem:v0+s5+$0x0], $0xffff;
	_ =	sdelay $0x4  }
0x44: {  	[tilespmem:s24+$0x1C760] =	vst v0;
	v0 =	vld [tilespmem:s24+$0x18780]  }
0x45: {  	v1 =	vld.idx.msk [tilespmem:v1+s5+$0x0], $0xffff;
	_ =	sdelay $0x4  }
0x46: {  	[tilespmem:s24+$0x1C770] =	vst v1;
	v1 =	vld [tilespmem:s24+$0x18790];
	_ =	sdelay $0x1  }
0x47: {  	v0 =	vld.idx.msk [tilespmem:v0+s5+$0x0], $0xffff;
	_ =	sdelay $0x4  }
0x48: {  	[tilespmem:s24+$0x1C780] =	vst v0;
	v0 =	vld [tilespmem:s24+$0x187A0]  }
0x49: {  	v1 =	vld.idx.msk [tilespmem:v1+s5+$0x0], $0xffff;
	_ =	sdelay $0x4  }
0x4a: {  	[tilespmem:s24+$0x1C790] =	vst v1;
	v1 =	vld [tilespmem:s24+$0x187B0];
	_ =	sdelay $0x1  }
0x4b: {  	v0 =	vld.idx.msk [tilespmem:v0+s5+$0x0], $0xffff;
	_ =	sdelay $0x4  }
0x4c: {  	[tilespmem:s24+$0x1C7A0] =	vst v0;
	v0 =	vld [tilespmem:s24+$0x187C0]  }
0x4d: {  	v1 =	vld.idx.msk [tilespmem:v1+s5+$0x0], $0xffff;
	_ =	sdelay $0x4  }
0x4e: {  	[tilespmem:s24+$0x1C7B0] =	vst v1;
	v1 =	vld [tilespmem:s24+$0x187D0];
	_ =	sdelay $0x1  }
0x4f: {  	v0 =	vld.idx.msk [tilespmem:v0+s5+$0x0], $0xffff;
	_ =	sdelay $0x4  }
0x50: {  	v2 =	vld [tilespmem:s24+$0x187E0];
	[tilespmem:s24+$0x1C7C0] =	vst v0  }
0x51: {  	v0 =	vld.idx.msk [tilespmem:v1+s5+$0x0], $0xffff;
	_ =	sdelay $0x4  }
0x52: {  	[tilespmem:s24+$0x1C7D0] =	vst v0;
	v0 =	vld [tilespmem:s24+$0x187F0];
	_ =	sdelay $0x1  }
0x53: {  	v1 =	vld.idx.msk [tilespmem:v2+s5+$0x0], $0xffff;
	_ =	sdelay $0x3  }
0x54: {  	s26 =	simm.s32 $0x100;
	s25 =	simm.s32 $0x800  }
.LBB2_3:
0x55: {  	p1 =	sne.s32 s25, $0x3C00;
	v2 =	vld [tilespmem:s26+$0x18700];
	[tilespmem:s24+$0x1C7E0] =	vst v1  }
0x56: {  	v0 =	vld.idx.msk [tilespmem:v0+s5+$0x0], $0xffff;
	_ =	sdelay $0x5  }
0x57: {  	v1 =	vld [tilespmem:s26+$0x18710];
	[tilespmem:s24+$0x1C7F0] =	vst v0;
	s24 =	smov.u32 s26  }
0x58: {  	v0 =	vld.idx.msk [tilespmem:v2+s5+$0x0], $0xffff;
	_ =	sdelay $0x5  }
0x59: {  	[tilespmem:s24+$0x1C700] =	vst v0;
	v0 =	vld [tilespmem:s24+$0x18720]  }
0x5a: {  	v1 =	vld.idx.msk [tilespmem:v1+s5+$0x0], $0xffff;
	_ =	sdelay $0x5  }
0x5b: {  	[tilespmem:s24+$0x1C710] =	vst v1;
	v1 =	vld [tilespmem:s24+$0x18730]  }
0x5c: {  	v0 =	vld.idx.msk [tilespmem:v0+s5+$0x0], $0xffff;
	_ =	sdelay $0x5  }
0x5d: {  	[tilespmem:s24+$0x1C720] =	vst v0;
	v0 =	vld [tilespmem:s24+$0x18740]  }
0x5e: {  	v1 =	vld.idx.msk [tilespmem:v1+s5+$0x0], $0xffff;
	_ =	sdelay $0x5  }
0x5f: {  	[tilespmem:s24+$0x1C730] =	vst v1;
	v1 =	vld [tilespmem:s24+$0x18750]  }
0x60: {  	v0 =	vld.idx.msk [tilespmem:v0+s5+$0x0], $0xffff;
	_ =	sdelay $0x5  }
0x61: {  	[tilespmem:s24+$0x1C740] =	vst v0;
	v0 =	vld [tilespmem:s24+$0x18760]  }
0x62: {  	v1 =	vld.idx.msk [tilespmem:v1+s5+$0x0], $0xffff;
	_ =	sdelay $0x5  }
0x63: {  	[tilespmem:s24+$0x1C750] =	vst v1;
	v1 =	vld [tilespmem:s24+$0x18770]  }
0x64: {  	v0 =	vld.idx.msk [tilespmem:v0+s5+$0x0], $0xffff;
	_ =	sdelay $0x5  }
0x65: {  	[tilespmem:s24+$0x1C760] =	vst v0;
	v0 =	vld [tilespmem:s24+$0x18780]  }
0x66: {  	v1 =	vld.idx.msk [tilespmem:v1+s5+$0x0], $0xffff;
	_ =	sdelay $0x5  }
0x67: {  	[tilespmem:s24+$0x1C770] =	vst v1;
	v1 =	vld [tilespmem:s24+$0x18790]  }
0x68: {  	v0 =	vld.idx.msk [tilespmem:v0+s5+$0x0], $0xffff;
	_ =	sdelay $0x5  }
0x69: {  	[tilespmem:s24+$0x1C780] =	vst v0;
	v0 =	vld [tilespmem:s24+$0x187A0]  }
0x6a: {  	v1 =	vld.idx.msk [tilespmem:v1+s5+$0x0], $0xffff;
	_ =	sdelay $0x5  }
0x6b: {  	[tilespmem:s24+$0x1C790] =	vst v1;
	v1 =	vld [tilespmem:s24+$0x187B0]  }
0x6c: {  	v0 =	vld.idx.msk [tilespmem:v0+s5+$0x0], $0xffff;
	_ =	sdelay $0x5  }
0x6d: {  	[tilespmem:s24+$0x1C7A0] =	vst v0;
	v0 =	vld [tilespmem:s24+$0x187C0]  }
0x6e: {  	v1 =	vld.idx.msk [tilespmem:v1+s5+$0x0], $0xffff;
	_ =	sdelay $0x5  }
0x6f: {  	[tilespmem:s24+$0x1C7B0] =	vst v1;
	v1 =	vld [tilespmem:s24+$0x187D0]  }
0x70: {  	v0 =	vld.idx.msk [tilespmem:v0+s5+$0x0], $0xffff;
	_ =	sdelay $0x5  }
0x71: {  	[tilespmem:s24+$0x1C7C0] =	vst v0;
	v2 =	vld [tilespmem:s24+$0x187E0]  }
0x72: {  	v0 =	vld.idx.msk [tilespmem:v1+s5+$0x0], $0xffff;
	_ =	sdelay $0x5  }
0x73: {  	[tilespmem:s24+$0x1C7D0] =	vst v0;
	v0 =	vld [tilespmem:s24+$0x187F0]  }
0x74: {  	v1 =	vld.idx.msk [tilespmem:v2+s5+$0x0], $0xffff  }
.Ltmp0:
0x75: {  	(pc) =	sbr.rel @p1 .LBB2_3-.Ltmp0, $2  }
0x76: {  	_ =	sdelay $0x2  }
0x77: {  	s26 =	sshra.s32 s25, $0x2;
	s25 =	sadd.s32 $0x400, s25  }
0x78: {  	_ =	sdelay $0x1  }
0x79: {  	v2 =	vld [tilespmem:s26+$0x18700]  }
0x7a: {  	[tilespmem:s24+$0x1C7E0] =	vst v1  }
0x7b: {  	v0 =	vld.idx.msk [tilespmem:v0+s5+$0x0], $0xffff;
	_ =	sdelay $0x3  }
0x7c: {  	v1 =	vld [tilespmem:s26+$0x18710]  }
0x7d: {  	[tilespmem:s24+$0x1C7F0] =	vst v0  }
0x7e: {  	v0 =	vld.idx.msk [tilespmem:v2+s5+$0x0], $0xffff;
	_ =	sdelay $0x4  }
0x7f: {  	[tilespmem:s26+$0x1C700] =	vst v0;
	v0 =	vld [tilespmem:s26+$0x18720]  }
0x80: {  	v1 =	vld.idx.msk [tilespmem:v1+s5+$0x0], $0xffff;
	_ =	sdelay $0x4  }
0x81: {  	[tilespmem:s26+$0x1C710] =	vst v1;
	v1 =	vld [tilespmem:s26+$0x18730];
	_ =	sdelay $0x1  }
0x82: {  	v0 =	vld.idx.msk [tilespmem:v0+s5+$0x0], $0xffff;
	_ =	sdelay $0x4  }
0x83: {  	[tilespmem:s26+$0x1C720] =	vst v0;
	v0 =	vld [tilespmem:s26+$0x18740]  }
0x84: {  	v1 =	vld.idx.msk [tilespmem:v1+s5+$0x0], $0xffff;
	_ =	sdelay $0x4  }
0x85: {  	[tilespmem:s26+$0x1C730] =	vst v1;
	v1 =	vld [tilespmem:s26+$0x18750];
	_ =	sdelay $0x1  }
0x86: {  	v0 =	vld.idx.msk [tilespmem:v0+s5+$0x0], $0xffff;
	_ =	sdelay $0x4  }
0x87: {  	[tilespmem:s26+$0x1C740] =	vst v0;
	v0 =	vld [tilespmem:s26+$0x18760]  }
0x88: {  	v1 =	vld.idx.msk [tilespmem:v1+s5+$0x0], $0xffff;
	_ =	sdelay $0x4  }
0x89: {  	[tilespmem:s26+$0x1C750] =	vst v1;
	v1 =	vld [tilespmem:s26+$0x18770];
	_ =	sdelay $0x1  }
0x8a: {  	v0 =	vld.idx.msk [tilespmem:v0+s5+$0x0], $0xffff;
	_ =	sdelay $0x4  }
0x8b: {  	[tilespmem:s26+$0x1C760] =	vst v0;
	v0 =	vld [tilespmem:s26+$0x18780]  }
0x8c: {  	v1 =	vld.idx.msk [tilespmem:v1+s5+$0x0], $0xffff;
	_ =	sdelay $0x4  }
0x8d: {  	[tilespmem:s26+$0x1C770] =	vst v1;
	v1 =	vld [tilespmem:s26+$0x18790];
	_ =	sdelay $0x1  }
0x8e: {  	v0 =	vld.idx.msk [tilespmem:v0+s5+$0x0], $0xffff;
	_ =	sdelay $0x4  }
0x8f: {  	[tilespmem:s26+$0x1C780] =	vst v0;
	v0 =	vld [tilespmem:s26+$0x187A0]  }
0x90: {  	v1 =	vld.idx.msk [tilespmem:v1+s5+$0x0], $0xffff;
	_ =	sdelay $0x4  }
0x91: {  	[tilespmem:s26+$0x1C790] =	vst v1;
	v1 =	vld [tilespmem:s26+$0x187B0];
	_ =	sdelay $0x1  }
0x92: {  	v0 =	vld.idx.msk [tilespmem:v0+s5+$0x0], $0xffff;
	_ =	sdelay $0x4  }
0x93: {  	[tilespmem:s26+$0x1C7A0] =	vst v0;
	v0 =	vld [tilespmem:s26+$0x187C0]  }
0x94: {  	v1 =	vld.idx.msk [tilespmem:v1+s5+$0x0], $0xffff;
	_ =	sdelay $0x4  }
0x95: {  	[tilespmem:s26+$0x1C7B0] =	vst v1;
	v1 =	vld [tilespmem:s26+$0x187D0];
	_ =	sdelay $0x1  }
0x96: {  	v0 =	vld.idx.msk [tilespmem:v0+s5+$0x0], $0xffff;
	_ =	sdelay $0x4  }
0x97: {  	[tilespmem:s26+$0x1C7C0] =	vst v0;
	v0 =	vld [tilespmem:s26+$0x187E0]  }
0x98: {  	v1 =	vld.idx.msk [tilespmem:v1+s5+$0x0], $0xffff;
	_ =	sdelay $0x4  }
0x99: {  	[tilespmem:s26+$0x1C7D0] =	vst v1;
	v1 =	vld [tilespmem:s26+$0x187F0];
	_ =	sdelay $0x1  }
0x9a: {  	v0 =	vld.idx.msk [tilespmem:v0+s5+$0x0], $0xffff;
	_ =	sdelay $0x4  }
0x9b: {  	[tilespmem:s26+$0x1C7E0] =	vst v0  }
0x9c: {  	v0 =	vld.idx.msk [tilespmem:v1+s5+$0x0], $0xffff  }
0x9d: {  	s30 =	sshll.u32 s21, $0x13;
	s22 =	sshll.u32 s22, $0x11  }
0x9e: {  	s22 =	sor.u32 s22, s30  }
0x9f: {  	s22 =	sor.u32 s23, s22  }
0xa0: {  	s22 =	sshrl.u32 s22, $0x3  }
0xa1: {  	s23 =	simm.s32 @!p0 $0x2;
	s31 =	sadd.s32 s4, s22;
	[tilespmem:s26+$0x1C7F0] =	vst v0  }
0xa2: {  	[hbm4b:s31+s13] =	stream.strided.scatter [tilespmem:s16], [sflag:$0x1], $0x1000, s14, s13, $0x38;
	[tilespmem:$0x1E700] =	vst v63  }
0xa3: {  	_ =	swait.ge @!p0 [sflag:s23], $0x1000  }
0xa4: {  	[sflag:s23] =	ssyncset.done @!p0 $0x0  }
0xa5: {  	[sflag:s23] =	ssyncadd.s32 @!p0 $0xFFFFF000;
	s23 =	simm.s32 $0x0  }
0xa6: {  	v0 =	vld [tilespmem:s23+$0x19700];
	_ =	sdelay $0x5  }
0xa7: {  	v1 =	vld [tilespmem:s23+$0x19710];
	_ =	sdelay $0x1  }
0xa8: {  	v0 =	vld.idx.msk [tilespmem:v0+s5+$0x0], $0xffff;
	_ =	sdelay $0x4  }
0xa9: {  	[tilespmem:s23+$0x1D700] =	vst v0;
	v0 =	vld [tilespmem:s23+$0x19720]  }
0xaa: {  	v1 =	vld.idx.msk [tilespmem:v1+s5+$0x0], $0xffff;
	_ =	sdelay $0x4  }
0xab: {  	[tilespmem:s23+$0x1D710] =	vst v1;
	v1 =	vld [tilespmem:s23+$0x19730];
	_ =	sdelay $0x1  }
0xac: {  	v0 =	vld.idx.msk [tilespmem:v0+s5+$0x0], $0xffff;
	_ =	sdelay $0x4  }
0xad: {  	[tilespmem:s23+$0x1D720] =	vst v0;
	v0 =	vld [tilespmem:s23+$0x19740]  }
0xae: {  	v1 =	vld.idx.msk [tilespmem:v1+s5+$0x0], $0xffff;
	_ =	sdelay $0x4  }
0xaf: {  	[tilespmem:s23+$0x1D730] =	vst v1;
	v1 =	vld [tilespmem:s23+$0x19750];
	_ =	sdelay $0x1  }
0xb0: {  	v0 =	vld.idx.msk [tilespmem:v0+s5+$0x0], $0xffff;
	_ =	sdelay $0x4  }
0xb1: {  	[tilespmem:s23+$0x1D740] =	vst v0;
	v0 =	vld [tilespmem:s23+$0x19760]  }
0xb2: {  	v1 =	vld.idx.msk [tilespmem:v1+s5+$0x0], $0xffff;
	_ =	sdelay $0x4  }
0xb3: {  	[tilespmem:s23+$0x1D750] =	vst v1;
	v1 =	vld [tilespmem:s23+$0x19770];
	_ =	sdelay $0x1  }
0xb4: {  	v0 =	vld.idx.msk [tilespmem:v0+s5+$0x0], $0xffff;
	_ =	sdelay $0x4  }
0xb5: {  	[tilespmem:s23+$0x1D760] =	vst v0;
	v0 =	vld [tilespmem:s23+$0x19780]  }
0xb6: {  	v1 =	vld.idx.msk [tilespmem:v1+s5+$0x0], $0xffff;
	_ =	sdelay $0x4  }
0xb7: {  	[tilespmem:s23+$0x1D770] =	vst v1;
	v1 =	vld [tilespmem:s23+$0x19790];
	_ =	sdelay $0x1  }
0xb8: {  	v0 =	vld.idx.msk [tilespmem:v0+s5+$0x0], $0xffff;
	_ =	sdelay $0x4  }
0xb9: {  	[tilespmem:s23+$0x1D780] =	vst v0;
	v0 =	vld [tilespmem:s23+$0x197A0]  }
0xba: {  	v1 =	vld.idx.msk [tilespmem:v1+s5+$0x0], $0xffff;
	_ =	sdelay $0x4  }
0xbb: {  	[tilespmem:s23+$0x1D790] =	vst v1;
	v1 =	vld [tilespmem:s23+$0x197B0];
	_ =	sdelay $0x1  }
0xbc: {  	v0 =	vld.idx.msk [tilespmem:v0+s5+$0x0], $0xffff;
	_ =	sdelay $0x4  }
0xbd: {  	[tilespmem:s23+$0x1D7A0] =	vst v0;
	v0 =	vld [tilespmem:s23+$0x197C0]  }
0xbe: {  	v1 =	vld.idx.msk [tilespmem:v1+s5+$0x0], $0xffff;
	_ =	sdelay $0x4  }
0xbf: {  	[tilespmem:s23+$0x1D7B0] =	vst v1;
	v1 =	vld [tilespmem:s23+$0x197D0];
	_ =	sdelay $0x1  }
0xc0: {  	v0 =	vld.idx.msk [tilespmem:v0+s5+$0x0], $0xffff;
	_ =	sdelay $0x4  }
0xc1: {  	v2 =	vld [tilespmem:s23+$0x197E0];
	[tilespmem:s23+$0x1D7C0] =	vst v0  }
0xc2: {  	v0 =	vld.idx.msk [tilespmem:v1+s5+$0x0], $0xffff;
	_ =	sdelay $0x4  }
0xc3: {  	[tilespmem:s23+$0x1D7D0] =	vst v0;
	v0 =	vld [tilespmem:s23+$0x197F0];
	_ =	sdelay $0x1  }
0xc4: {  	v1 =	vld.idx.msk [tilespmem:v2+s5+$0x0], $0xffff;
	_ =	sdelay $0x3  }
0xc5: {  	s25 =	simm.s32 $0x100;
	s24 =	simm.s32 $0x800  }
.LBB2_5:
0xc6: {  	p0 =	sne.s32 s24, $0x3C00;
	v2 =	vld [tilespmem:s25+$0x19700];
	[tilespmem:s23+$0x1D7E0] =	vst v1  }
0xc7: {  	v0 =	vld.idx.msk [tilespmem:v0+s5+$0x0], $0xffff;
	_ =	sdelay $0x5  }
0xc8: {  	v1 =	vld [tilespmem:s25+$0x19710];
	[tilespmem:s23+$0x1D7F0] =	vst v0;
	s23 =	smov.u32 s25  }
0xc9: {  	v0 =	vld.idx.msk [tilespmem:v2+s5+$0x0], $0xffff;
	_ =	sdelay $0x5  }
0xca: {  	[tilespmem:s23+$0x1D700] =	vst v0;
	v0 =	vld [tilespmem:s23+$0x19720]  }
0xcb: {  	v1 =	vld.idx.msk [tilespmem:v1+s5+$0x0], $0xffff;
	_ =	sdelay $0x5  }
0xcc: {  	[tilespmem:s23+$0x1D710] =	vst v1;
	v1 =	vld [tilespmem:s23+$0x19730]  }
0xcd: {  	v0 =	vld.idx.msk [tilespmem:v0+s5+$0x0], $0xffff;
	_ =	sdelay $0x5  }
0xce: {  	[tilespmem:s23+$0x1D720] =	vst v0;
	v0 =	vld [tilespmem:s23+$0x19740]  }
0xcf: {  	v1 =	vld.idx.msk [tilespmem:v1+s5+$0x0], $0xffff;
	_ =	sdelay $0x5  }
0xd0: {  	[tilespmem:s23+$0x1D730] =	vst v1;
	v1 =	vld [tilespmem:s23+$0x19750]  }
0xd1: {  	v0 =	vld.idx.msk [tilespmem:v0+s5+$0x0], $0xffff;
	_ =	sdelay $0x5  }
0xd2: {  	[tilespmem:s23+$0x1D740] =	vst v0;
	v0 =	vld [tilespmem:s23+$0x19760]  }
0xd3: {  	v1 =	vld.idx.msk [tilespmem:v1+s5+$0x0], $0xffff;
	_ =	sdelay $0x5  }
0xd4: {  	[tilespmem:s23+$0x1D750] =	vst v1;
	v1 =	vld [tilespmem:s23+$0x19770]  }
0xd5: {  	v0 =	vld.idx.msk [tilespmem:v0+s5+$0x0], $0xffff;
	_ =	sdelay $0x5  }
0xd6: {  	[tilespmem:s23+$0x1D760] =	vst v0;
	v0 =	vld [tilespmem:s23+$0x19780]  }
0xd7: {  	v1 =	vld.idx.msk [tilespmem:v1+s5+$0x0], $0xffff;
	_ =	sdelay $0x5  }
0xd8: {  	[tilespmem:s23+$0x1D770] =	vst v1;
	v1 =	vld [tilespmem:s23+$0x19790]  }
0xd9: {  	v0 =	vld.idx.msk [tilespmem:v0+s5+$0x0], $0xffff;
	_ =	sdelay $0x5  }
0xda: {  	[tilespmem:s23+$0x1D780] =	vst v0;
	v0 =	vld [tilespmem:s23+$0x197A0]  }
0xdb: {  	v1 =	vld.idx.msk [tilespmem:v1+s5+$0x0], $0xffff;
	_ =	sdelay $0x5  }
0xdc: {  	[tilespmem:s23+$0x1D790] =	vst v1;
	v1 =	vld [tilespmem:s23+$0x197B0]  }
0xdd: {  	v0 =	vld.idx.msk [tilespmem:v0+s5+$0x0], $0xffff;
	_ =	sdelay $0x5  }
0xde: {  	[tilespmem:s23+$0x1D7A0] =	vst v0;
	v0 =	vld [tilespmem:s23+$0x197C0]  }
0xdf: {  	v1 =	vld.idx.msk [tilespmem:v1+s5+$0x0], $0xffff;
	_ =	sdelay $0x5  }
0xe0: {  	[tilespmem:s23+$0x1D7B0] =	vst v1;
	v1 =	vld [tilespmem:s23+$0x197D0]  }
0xe1: {  	v0 =	vld.idx.msk [tilespmem:v0+s5+$0x0], $0xffff;
	_ =	sdelay $0x5  }
0xe2: {  	[tilespmem:s23+$0x1D7C0] =	vst v0;
	v2 =	vld [tilespmem:s23+$0x197E0]  }
0xe3: {  	v0 =	vld.idx.msk [tilespmem:v1+s5+$0x0], $0xffff;
	_ =	sdelay $0x5  }
0xe4: {  	[tilespmem:s23+$0x1D7D0] =	vst v0;
	v0 =	vld [tilespmem:s23+$0x197F0]  }
0xe5: {  	v1 =	vld.idx.msk [tilespmem:v2+s5+$0x0], $0xffff  }
.Ltmp1:
0xe6: {  	(pc) =	sbr.rel @p0 .LBB2_5-.Ltmp1, $2  }
0xe7: {  	_ =	sdelay $0x2  }
0xe8: {  	s25 =	sshra.s32 s24, $0x2;
	s24 =	sadd.s32 $0x400, s24  }
0xe9: {  	_ =	sdelay $0x1  }
0xea: {  	v2 =	vld [tilespmem:s25+$0x19700]  }
0xeb: {  	[tilespmem:s23+$0x1D7E0] =	vst v1  }
0xec: {  	v0 =	vld.idx.msk [tilespmem:v0+s5+$0x0], $0xffff;
	_ =	sdelay $0x3  }
0xed: {  	v1 =	vld [tilespmem:s25+$0x19710]  }
0xee: {  	[tilespmem:s23+$0x1D7F0] =	vst v0  }
0xef: {  	v0 =	vld.idx.msk [tilespmem:v2+s5+$0x0], $0xffff;
	_ =	sdelay $0x4  }
0xf0: {  	[tilespmem:s25+$0x1D700] =	vst v0;
	v0 =	vld [tilespmem:s25+$0x19720]  }
0xf1: {  	v1 =	vld.idx.msk [tilespmem:v1+s5+$0x0], $0xffff;
	_ =	sdelay $0x4  }
0xf2: {  	[tilespmem:s25+$0x1D710] =	vst v1;
	v1 =	vld [tilespmem:s25+$0x19730];
	_ =	sdelay $0x1  }
0xf3: {  	v0 =	vld.idx.msk [tilespmem:v0+s5+$0x0], $0xffff;
	_ =	sdelay $0x4  }
0xf4: {  	[tilespmem:s25+$0x1D720] =	vst v0;
	v0 =	vld [tilespmem:s25+$0x19740]  }
0xf5: {  	v1 =	vld.idx.msk [tilespmem:v1+s5+$0x0], $0xffff;
	_ =	sdelay $0x4  }
0xf6: {  	[tilespmem:s25+$0x1D730] =	vst v1;
	v1 =	vld [tilespmem:s25+$0x19750];
	_ =	sdelay $0x1  }
0xf7: {  	v0 =	vld.idx.msk [tilespmem:v0+s5+$0x0], $0xffff;
	_ =	sdelay $0x4  }
0xf8: {  	[tilespmem:s25+$0x1D740] =	vst v0;
	v0 =	vld [tilespmem:s25+$0x19760]  }
0xf9: {  	v1 =	vld.idx.msk [tilespmem:v1+s5+$0x0], $0xffff;
	_ =	sdelay $0x4  }
0xfa: {  	[tilespmem:s25+$0x1D750] =	vst v1;
	v1 =	vld [tilespmem:s25+$0x19770];
	_ =	sdelay $0x1  }
0xfb: {  	v0 =	vld.idx.msk [tilespmem:v0+s5+$0x0], $0xffff;
	_ =	sdelay $0x4  }
0xfc: {  	[tilespmem:s25+$0x1D760] =	vst v0;
	v0 =	vld [tilespmem:s25+$0x19780]  }
0xfd: {  	v1 =	vld.idx.msk [tilespmem:v1+s5+$0x0], $0xffff;
	_ =	sdelay $0x4  }
0xfe: {  	[tilespmem:s25+$0x1D770] =	vst v1;
	v1 =	vld [tilespmem:s25+$0x19790];
	_ =	sdelay $0x1  }
0xff: {  	v0 =	vld.idx.msk [tilespmem:v0+s5+$0x0], $0xffff;
	_ =	sdelay $0x4  }
0x100: {  	[tilespmem:s25+$0x1D780] =	vst v0;
	v0 =	vld [tilespmem:s25+$0x197A0]  }
0x101: {  	v1 =	vld.idx.msk [tilespmem:v1+s5+$0x0], $0xffff;
	_ =	sdelay $0x4  }
0x102: {  	[tilespmem:s25+$0x1D790] =	vst v1;
	v1 =	vld [tilespmem:s25+$0x197B0];
	_ =	sdelay $0x1  }
0x103: {  	v0 =	vld.idx.msk [tilespmem:v0+s5+$0x0], $0xffff;
	_ =	sdelay $0x4  }
0x104: {  	[tilespmem:s25+$0x1D7A0] =	vst v0;
	v0 =	vld [tilespmem:s25+$0x197C0]  }
0x105: {  	v1 =	vld.idx.msk [tilespmem:v1+s5+$0x0], $0xffff;
	_ =	sdelay $0x4  }
0x106: {  	[tilespmem:s25+$0x1D7B0] =	vst v1;
	v1 =	vld [tilespmem:s25+$0x197D0];
	_ =	sdelay $0x1  }
0x107: {  	v0 =	vld.idx.msk [tilespmem:v0+s5+$0x0], $0xffff;
	_ =	sdelay $0x4  }
0x108: {  	[tilespmem:s25+$0x1D7C0] =	vst v0;
	v0 =	vld [tilespmem:s25+$0x197E0]  }
0x109: {  	v1 =	vld.idx.msk [tilespmem:v1+s5+$0x0], $0xffff;
	_ =	sdelay $0x4  }
0x10a: {  	[tilespmem:s25+$0x1D7D0] =	vst v1;
	v1 =	vld [tilespmem:s25+$0x197F0];
	_ =	sdelay $0x1  }
0x10b: {  	v0 =	vld.idx.msk [tilespmem:v0+s5+$0x0], $0xffff;
	_ =	sdelay $0x4  }
0x10c: {  	[tilespmem:s25+$0x1D7E0] =	vst v0  }
0x10d: {  	v0 =	vld.idx.msk [tilespmem:v1+s5+$0x0], $0xffff;
	_ =	sdelay $0x4  }
0x10e: {  	s31 =	sadd.s32 s22, s8;
	[tilespmem:s25+$0x1D7F0] =	vst v0  }
0x10f: {  	[hbm4b:s31+s13] =	stream.strided.scatter [tilespmem:s17], [sflag:$0x2], $0x1000, s14, s13, $0x38;
	[tilespmem:$0x1E700] =	vst v63  }
0x110: {  	_ =	swait.ge [sflag:s12], $0x1000  }
0x111: {  	[sflag:s12] =	ssyncset.done $0x0  }
0x112: {  	s23 =	simm.s32 $0x0;
	[sflag:s12] =	ssyncadd.s32 $0xFFFFF000  }
0x113: {  	v0 =	vld [tilespmem:s23+$0x1A700];
	_ =	sdelay $0x5  }
0x114: {  	v1 =	vld [tilespmem:s23+$0x1A710];
	_ =	sdelay $0x1  }
0x115: {  	v0 =	vld.idx.msk [tilespmem:v0+s5+$0x0], $0xffff;
	_ =	sdelay $0x4  }
0x116: {  	[tilespmem:s23+$0x1C700] =	vst v0;
	v0 =	vld [tilespmem:s23+$0x1A720]  }
0x117: {  	v1 =	vld.idx.msk [tilespmem:v1+s5+$0x0], $0xffff;
	_ =	sdelay $0x4  }
0x118: {  	[tilespmem:s23+$0x1C710] =	vst v1;
	v1 =	vld [tilespmem:s23+$0x1A730];
	_ =	sdelay $0x1  }
0x119: {  	v0 =	vld.idx.msk [tilespmem:v0+s5+$0x0], $0xffff;
	_ =	sdelay $0x4  }
0x11a: {  	[tilespmem:s23+$0x1C720] =	vst v0;
	v0 =	vld [tilespmem:s23+$0x1A740]  }
0x11b: {  	v1 =	vld.idx.msk [tilespmem:v1+s5+$0x0], $0xffff;
	_ =	sdelay $0x4  }
0x11c: {  	[tilespmem:s23+$0x1C730] =	vst v1;
	v1 =	vld [tilespmem:s23+$0x1A750];
	_ =	sdelay $0x1  }
0x11d: {  	v0 =	vld.idx.msk [tilespmem:v0+s5+$0x0], $0xffff;
	_ =	sdelay $0x4  }
0x11e: {  	[tilespmem:s23+$0x1C740] =	vst v0;
	v0 =	vld [tilespmem:s23+$0x1A760]  }
0x11f: {  	v1 =	vld.idx.msk [tilespmem:v1+s5+$0x0], $0xffff;
	_ =	sdelay $0x4  }
0x120: {  	[tilespmem:s23+$0x1C750] =	vst v1;
	v1 =	vld [tilespmem:s23+$0x1A770];
	_ =	sdelay $0x1  }
0x121: {  	v0 =	vld.idx.msk [tilespmem:v0+s5+$0x0], $0xffff;
	_ =	sdelay $0x4  }
0x122: {  	[tilespmem:s23+$0x1C760] =	vst v0;
	v0 =	vld [tilespmem:s23+$0x1A780]  }
0x123: {  	v1 =	vld.idx.msk [tilespmem:v1+s5+$0x0], $0xffff;
	_ =	sdelay $0x4  }
0x124: {  	[tilespmem:s23+$0x1C770] =	vst v1;
	v1 =	vld [tilespmem:s23+$0x1A790];
	_ =	sdelay $0x1  }
0x125: {  	v0 =	vld.idx.msk [tilespmem:v0+s5+$0x0], $0xffff;
	_ =	sdelay $0x4  }
0x126: {  	[tilespmem:s23+$0x1C780] =	vst v0;
	v0 =	vld [tilespmem:s23+$0x1A7A0]  }
0x127: {  	v1 =	vld.idx.msk [tilespmem:v1+s5+$0x0], $0xffff;
	_ =	sdelay $0x4  }
0x128: {  	[tilespmem:s23+$0x1C790] =	vst v1;
	v1 =	vld [tilespmem:s23+$0x1A7B0];
	_ =	sdelay $0x1  }
0x129: {  	v0 =	vld.idx.msk [tilespmem:v0+s5+$0x0], $0xffff;
	_ =	sdelay $0x4  }
0x12a: {  	[tilespmem:s23+$0x1C7A0] =	vst v0;
	v0 =	vld [tilespmem:s23+$0x1A7C0]  }
0x12b: {  	v1 =	vld.idx.msk [tilespmem:v1+s5+$0x0], $0xffff;
	_ =	sdelay $0x4  }
0x12c: {  	[tilespmem:s23+$0x1C7B0] =	vst v1;
	v1 =	vld [tilespmem:s23+$0x1A7D0];
	_ =	sdelay $0x1  }
0x12d: {  	v0 =	vld.idx.msk [tilespmem:v0+s5+$0x0], $0xffff;
	_ =	sdelay $0x4  }
0x12e: {  	v2 =	vld [tilespmem:s23+$0x1A7E0];
	[tilespmem:s23+$0x1C7C0] =	vst v0  }
0x12f: {  	v0 =	vld.idx.msk [tilespmem:v1+s5+$0x0], $0xffff;
	_ =	sdelay $0x4  }
0x130: {  	[tilespmem:s23+$0x1C7D0] =	vst v0;
	v0 =	vld [tilespmem:s23+$0x1A7F0];
	_ =	sdelay $0x1  }
0x131: {  	v1 =	vld.idx.msk [tilespmem:v2+s5+$0x0], $0xffff;
	_ =	sdelay $0x3  }
0x132: {  	s24 =	simm.s32 $0x800;
	s25 =	simm.s32 $0x100  }
.LBB2_7:
0x133: {  	p0 =	sne.s32 s24, $0x3C00;
	v2 =	vld [tilespmem:s25+$0x1A700];
	[tilespmem:s23+$0x1C7E0] =	vst v1  }
0x134: {  	v0 =	vld.idx.msk [tilespmem:v0+s5+$0x0], $0xffff;
	_ =	sdelay $0x5  }
0x135: {  	v1 =	vld [tilespmem:s25+$0x1A710];
	[tilespmem:s23+$0x1C7F0] =	vst v0;
	s23 =	smov.u32 s25  }
0x136: {  	v0 =	vld.idx.msk [tilespmem:v2+s5+$0x0], $0xffff;
	_ =	sdelay $0x5  }
0x137: {  	[tilespmem:s23+$0x1C700] =	vst v0;
	v0 =	vld [tilespmem:s23+$0x1A720]  }
0x138: {  	v1 =	vld.idx.msk [tilespmem:v1+s5+$0x0], $0xffff;
	_ =	sdelay $0x5  }
0x139: {  	[tilespmem:s23+$0x1C710] =	vst v1;
	v1 =	vld [tilespmem:s23+$0x1A730]  }
0x13a: {  	v0 =	vld.idx.msk [tilespmem:v0+s5+$0x0], $0xffff;
	_ =	sdelay $0x5  }
0x13b: {  	[tilespmem:s23+$0x1C720] =	vst v0;
	v0 =	vld [tilespmem:s23+$0x1A740]  }
0x13c: {  	v1 =	vld.idx.msk [tilespmem:v1+s5+$0x0], $0xffff;
	_ =	sdelay $0x5  }
0x13d: {  	[tilespmem:s23+$0x1C730] =	vst v1;
	v1 =	vld [tilespmem:s23+$0x1A750]  }
0x13e: {  	v0 =	vld.idx.msk [tilespmem:v0+s5+$0x0], $0xffff;
	_ =	sdelay $0x5  }
0x13f: {  	[tilespmem:s23+$0x1C740] =	vst v0;
	v0 =	vld [tilespmem:s23+$0x1A760]  }
0x140: {  	v1 =	vld.idx.msk [tilespmem:v1+s5+$0x0], $0xffff;
	_ =	sdelay $0x5  }
0x141: {  	[tilespmem:s23+$0x1C750] =	vst v1;
	v1 =	vld [tilespmem:s23+$0x1A770]  }
0x142: {  	v0 =	vld.idx.msk [tilespmem:v0+s5+$0x0], $0xffff;
	_ =	sdelay $0x5  }
0x143: {  	[tilespmem:s23+$0x1C760] =	vst v0;
	v0 =	vld [tilespmem:s23+$0x1A780]  }
0x144: {  	v1 =	vld.idx.msk [tilespmem:v1+s5+$0x0], $0xffff;
	_ =	sdelay $0x5  }
0x145: {  	[tilespmem:s23+$0x1C770] =	vst v1;
	v1 =	vld [tilespmem:s23+$0x1A790]  }
0x146: {  	v0 =	vld.idx.msk [tilespmem:v0+s5+$0x0], $0xffff;
	_ =	sdelay $0x5  }
0x147: {  	[tilespmem:s23+$0x1C780] =	vst v0;
	v0 =	vld [tilespmem:s23+$0x1A7A0]  }
0x148: {  	v1 =	vld.idx.msk [tilespmem:v1+s5+$0x0], $0xffff;
	_ =	sdelay $0x5  }
0x149: {  	[tilespmem:s23+$0x1C790] =	vst v1;
	v1 =	vld [tilespmem:s23+$0x1A7B0]  }
0x14a: {  	v0 =	vld.idx.msk [tilespmem:v0+s5+$0x0], $0xffff;
	_ =	sdelay $0x5  }
0x14b: {  	[tilespmem:s23+$0x1C7A0] =	vst v0;
	v0 =	vld [tilespmem:s23+$0x1A7C0]  }
0x14c: {  	v1 =	vld.idx.msk [tilespmem:v1+s5+$0x0], $0xffff;
	_ =	sdelay $0x5  }
0x14d: {  	[tilespmem:s23+$0x1C7B0] =	vst v1;
	v1 =	vld [tilespmem:s23+$0x1A7D0]  }
0x14e: {  	v0 =	vld.idx.msk [tilespmem:v0+s5+$0x0], $0xffff;
	_ =	sdelay $0x5  }
0x14f: {  	[tilespmem:s23+$0x1C7C0] =	vst v0;
	v2 =	vld [tilespmem:s23+$0x1A7E0]  }
0x150: {  	v0 =	vld.idx.msk [tilespmem:v1+s5+$0x0], $0xffff;
	_ =	sdelay $0x5  }
0x151: {  	[tilespmem:s23+$0x1C7D0] =	vst v0;
	v0 =	vld [tilespmem:s23+$0x1A7F0]  }
0x152: {  	v1 =	vld.idx.msk [tilespmem:v2+s5+$0x0], $0xffff  }
.Ltmp2:
0x153: {  	(pc) =	sbr.rel @p0 .LBB2_7-.Ltmp2, $2  }
0x154: {  	_ =	sdelay $0x2  }
0x155: {  	s25 =	sshra.s32 s24, $0x2;
	s24 =	sadd.s32 $0x400, s24  }
0x156: {  	_ =	sdelay $0x1  }
0x157: {  	v2 =	vld [tilespmem:s25+$0x1A700]  }
0x158: {  	[tilespmem:s23+$0x1C7E0] =	vst v1  }
0x159: {  	v0 =	vld.idx.msk [tilespmem:v0+s5+$0x0], $0xffff;
	_ =	sdelay $0x3  }
0x15a: {  	v1 =	vld [tilespmem:s25+$0x1A710]  }
0x15b: {  	[tilespmem:s23+$0x1C7F0] =	vst v0  }
0x15c: {  	v0 =	vld.idx.msk [tilespmem:v2+s5+$0x0], $0xffff;
	_ =	sdelay $0x4  }
0x15d: {  	[tilespmem:s25+$0x1C700] =	vst v0;
	v0 =	vld [tilespmem:s25+$0x1A720]  }
0x15e: {  	v1 =	vld.idx.msk [tilespmem:v1+s5+$0x0], $0xffff;
	_ =	sdelay $0x4  }
0x15f: {  	[tilespmem:s25+$0x1C710] =	vst v1;
	v1 =	vld [tilespmem:s25+$0x1A730];
	_ =	sdelay $0x1  }
0x160: {  	v0 =	vld.idx.msk [tilespmem:v0+s5+$0x0], $0xffff;
	_ =	sdelay $0x4  }
0x161: {  	[tilespmem:s25+$0x1C720] =	vst v0;
	v0 =	vld [tilespmem:s25+$0x1A740]  }
0x162: {  	v1 =	vld.idx.msk [tilespmem:v1+s5+$0x0], $0xffff;
	_ =	sdelay $0x4  }
0x163: {  	[tilespmem:s25+$0x1C730] =	vst v1;
	v1 =	vld [tilespmem:s25+$0x1A750];
	_ =	sdelay $0x1  }
0x164: {  	v0 =	vld.idx.msk [tilespmem:v0+s5+$0x0], $0xffff;
	_ =	sdelay $0x4  }
0x165: {  	[tilespmem:s25+$0x1C740] =	vst v0;
	v0 =	vld [tilespmem:s25+$0x1A760]  }
0x166: {  	v1 =	vld.idx.msk [tilespmem:v1+s5+$0x0], $0xffff;
	_ =	sdelay $0x4  }
0x167: {  	[tilespmem:s25+$0x1C750] =	vst v1;
	v1 =	vld [tilespmem:s25+$0x1A770];
	_ =	sdelay $0x1  }
0x168: {  	v0 =	vld.idx.msk [tilespmem:v0+s5+$0x0], $0xffff;
	_ =	sdelay $0x4  }
0x169: {  	[tilespmem:s25+$0x1C760] =	vst v0;
	v0 =	vld [tilespmem:s25+$0x1A780]  }
0x16a: {  	v1 =	vld.idx.msk [tilespmem:v1+s5+$0x0], $0xffff;
	_ =	sdelay $0x4  }
0x16b: {  	[tilespmem:s25+$0x1C770] =	vst v1;
	v1 =	vld [tilespmem:s25+$0x1A790];
	_ =	sdelay $0x1  }
0x16c: {  	v0 =	vld.idx.msk [tilespmem:v0+s5+$0x0], $0xffff;
	_ =	sdelay $0x4  }
0x16d: {  	[tilespmem:s25+$0x1C780] =	vst v0;
	v0 =	vld [tilespmem:s25+$0x1A7A0]  }
0x16e: {  	v1 =	vld.idx.msk [tilespmem:v1+s5+$0x0], $0xffff;
	_ =	sdelay $0x4  }
0x16f: {  	[tilespmem:s25+$0x1C790] =	vst v1;
	v1 =	vld [tilespmem:s25+$0x1A7B0];
	_ =	sdelay $0x1  }
0x170: {  	v0 =	vld.idx.msk [tilespmem:v0+s5+$0x0], $0xffff;
	_ =	sdelay $0x4  }
0x171: {  	[tilespmem:s25+$0x1C7A0] =	vst v0;
	v0 =	vld [tilespmem:s25+$0x1A7C0]  }
0x172: {  	v1 =	vld.idx.msk [tilespmem:v1+s5+$0x0], $0xffff;
	_ =	sdelay $0x4  }
0x173: {  	[tilespmem:s25+$0x1C7B0] =	vst v1;
	v1 =	vld [tilespmem:s25+$0x1A7D0];
	_ =	sdelay $0x1  }
0x174: {  	v0 =	vld.idx.msk [tilespmem:v0+s5+$0x0], $0xffff;
	_ =	sdelay $0x4  }
0x175: {  	[tilespmem:s25+$0x1C7C0] =	vst v0;
	v0 =	vld [tilespmem:s25+$0x1A7E0]  }
0x176: {  	v1 =	vld.idx.msk [tilespmem:v1+s5+$0x0], $0xffff;
	_ =	sdelay $0x4  }
0x177: {  	[tilespmem:s25+$0x1C7D0] =	vst v1;
	v1 =	vld [tilespmem:s25+$0x1A7F0];
	_ =	sdelay $0x1  }
0x178: {  	v0 =	vld.idx.msk [tilespmem:v0+s5+$0x0], $0xffff;
	_ =	sdelay $0x4  }
0x179: {  	[tilespmem:s25+$0x1C7E0] =	vst v0  }
0x17a: {  	v0 =	vld.idx.msk [tilespmem:v1+s5+$0x0], $0xffff;
	_ =	sdelay $0x4  }
0x17b: {  	s31 =	sadd.s32 s22, s9;
	[tilespmem:s25+$0x1C7F0] =	vst v0  }
0x17c: {  	[hbm4b:s31+s13] =	stream.strided.scatter [tilespmem:s16], [sflag:$0x1], $0x1000, s14, s13, $0x38;
	[tilespmem:$0x1E700] =	vst v63  }
0x17d: {  	_ =	swait.ge [sflag:s18], $0x1000  }
0x17e: {  	[sflag:s18] =	ssyncset.done $0x0  }
0x17f: {  	s23 =	simm.s32 $0x0;
	[sflag:s18] =	ssyncadd.s32 $0xFFFFF000  }
0x180: {  	v0 =	vld [tilespmem:s23+$0x1B700];
	_ =	sdelay $0x5  }
0x181: {  	v1 =	vld [tilespmem:s23+$0x1B710];
	_ =	sdelay $0x1  }
0x182: {  	v0 =	vld.idx.msk [tilespmem:v0+s5+$0x0], $0xffff;
	_ =	sdelay $0x4  }
0x183: {  	[tilespmem:s23+$0x1D700] =	vst v0;
	v0 =	vld [tilespmem:s23+$0x1B720]  }
0x184: {  	v1 =	vld.idx.msk [tilespmem:v1+s5+$0x0], $0xffff;
	_ =	sdelay $0x4  }
0x185: {  	[tilespmem:s23+$0x1D710] =	vst v1;
	v1 =	vld [tilespmem:s23+$0x1B730];
	_ =	sdelay $0x1  }
0x186: {  	v0 =	vld.idx.msk [tilespmem:v0+s5+$0x0], $0xffff;
	_ =	sdelay $0x4  }
0x187: {  	[tilespmem:s23+$0x1D720] =	vst v0;
	v0 =	vld [tilespmem:s23+$0x1B740]  }
0x188: {  	v1 =	vld.idx.msk [tilespmem:v1+s5+$0x0], $0xffff;
	_ =	sdelay $0x4  }
0x189: {  	[tilespmem:s23+$0x1D730] =	vst v1;
	v1 =	vld [tilespmem:s23+$0x1B750];
	_ =	sdelay $0x1  }
0x18a: {  	v0 =	vld.idx.msk [tilespmem:v0+s5+$0x0], $0xffff;
	_ =	sdelay $0x4  }
0x18b: {  	[tilespmem:s23+$0x1D740] =	vst v0;
	v0 =	vld [tilespmem:s23+$0x1B760]  }
0x18c: {  	v1 =	vld.idx.msk [tilespmem:v1+s5+$0x0], $0xffff;
	_ =	sdelay $0x4  }
0x18d: {  	[tilespmem:s23+$0x1D750] =	vst v1;
	v1 =	vld [tilespmem:s23+$0x1B770];
	_ =	sdelay $0x1  }
0x18e: {  	v0 =	vld.idx.msk [tilespmem:v0+s5+$0x0], $0xffff;
	_ =	sdelay $0x4  }
0x18f: {  	[tilespmem:s23+$0x1D760] =	vst v0;
	v0 =	vld [tilespmem:s23+$0x1B780]  }
0x190: {  	v1 =	vld.idx.msk [tilespmem:v1+s5+$0x0], $0xffff;
	_ =	sdelay $0x4  }
0x191: {  	[tilespmem:s23+$0x1D770] =	vst v1;
	v1 =	vld [tilespmem:s23+$0x1B790];
	_ =	sdelay $0x1  }
0x192: {  	v0 =	vld.idx.msk [tilespmem:v0+s5+$0x0], $0xffff;
	_ =	sdelay $0x4  }
0x193: {  	[tilespmem:s23+$0x1D780] =	vst v0;
	v0 =	vld [tilespmem:s23+$0x1B7A0]  }
0x194: {  	v1 =	vld.idx.msk [tilespmem:v1+s5+$0x0], $0xffff;
	_ =	sdelay $0x4  }
0x195: {  	[tilespmem:s23+$0x1D790] =	vst v1;
	v1 =	vld [tilespmem:s23+$0x1B7B0];
	_ =	sdelay $0x1  }
0x196: {  	v0 =	vld.idx.msk [tilespmem:v0+s5+$0x0], $0xffff;
	_ =	sdelay $0x4  }
0x197: {  	[tilespmem:s23+$0x1D7A0] =	vst v0;
	v0 =	vld [tilespmem:s23+$0x1B7C0]  }
0x198: {  	v1 =	vld.idx.msk [tilespmem:v1+s5+$0x0], $0xffff;
	_ =	sdelay $0x4  }
0x199: {  	[tilespmem:s23+$0x1D7B0] =	vst v1;
	v1 =	vld [tilespmem:s23+$0x1B7D0];
	_ =	sdelay $0x1  }
0x19a: {  	v0 =	vld.idx.msk [tilespmem:v0+s5+$0x0], $0xffff;
	_ =	sdelay $0x4  }
0x19b: {  	v2 =	vld [tilespmem:s23+$0x1B7E0];
	[tilespmem:s23+$0x1D7C0] =	vst v0  }
0x19c: {  	v0 =	vld.idx.msk [tilespmem:v1+s5+$0x0], $0xffff;
	_ =	sdelay $0x4  }
0x19d: {  	[tilespmem:s23+$0x1D7D0] =	vst v0;
	v0 =	vld [tilespmem:s23+$0x1B7F0];
	_ =	sdelay $0x1  }
0x19e: {  	v1 =	vld.idx.msk [tilespmem:v2+s5+$0x0], $0xffff;
	_ =	sdelay $0x3  }
0x19f: {  	s24 =	simm.s32 $0x800;
	s25 =	simm.s32 $0x100  }
.LBB2_9:
0x1a0: {  	p0 =	sne.s32 s24, $0x3C00;
	v2 =	vld [tilespmem:s25+$0x1B700];
	[tilespmem:s23+$0x1D7E0] =	vst v1  }
0x1a1: {  	v0 =	vld.idx.msk [tilespmem:v0+s5+$0x0], $0xffff;
	_ =	sdelay $0x5  }
0x1a2: {  	v1 =	vld [tilespmem:s25+$0x1B710];
	[tilespmem:s23+$0x1D7F0] =	vst v0;
	s23 =	smov.u32 s25  }
0x1a3: {  	v0 =	vld.idx.msk [tilespmem:v2+s5+$0x0], $0xffff;
	_ =	sdelay $0x5  }
0x1a4: {  	[tilespmem:s23+$0x1D700] =	vst v0;
	v0 =	vld [tilespmem:s23+$0x1B720]  }
0x1a5: {  	v1 =	vld.idx.msk [tilespmem:v1+s5+$0x0], $0xffff;
	_ =	sdelay $0x5  }
0x1a6: {  	[tilespmem:s23+$0x1D710] =	vst v1;
	v1 =	vld [tilespmem:s23+$0x1B730]  }
0x1a7: {  	v0 =	vld.idx.msk [tilespmem:v0+s5+$0x0], $0xffff;
	_ =	sdelay $0x5  }
0x1a8: {  	[tilespmem:s23+$0x1D720] =	vst v0;
	v0 =	vld [tilespmem:s23+$0x1B740]  }
0x1a9: {  	v1 =	vld.idx.msk [tilespmem:v1+s5+$0x0], $0xffff;
	_ =	sdelay $0x5  }
0x1aa: {  	[tilespmem:s23+$0x1D730] =	vst v1;
	v1 =	vld [tilespmem:s23+$0x1B750]  }
0x1ab: {  	v0 =	vld.idx.msk [tilespmem:v0+s5+$0x0], $0xffff;
	_ =	sdelay $0x5  }
0x1ac: {  	[tilespmem:s23+$0x1D740] =	vst v0;
	v0 =	vld [tilespmem:s23+$0x1B760]  }
0x1ad: {  	v1 =	vld.idx.msk [tilespmem:v1+s5+$0x0], $0xffff;
	_ =	sdelay $0x5  }
0x1ae: {  	[tilespmem:s23+$0x1D750] =	vst v1;
	v1 =	vld [tilespmem:s23+$0x1B770]  }
0x1af: {  	v0 =	vld.idx.msk [tilespmem:v0+s5+$0x0], $0xffff;
	_ =	sdelay $0x5  }
0x1b0: {  	[tilespmem:s23+$0x1D760] =	vst v0;
	v0 =	vld [tilespmem:s23+$0x1B780]  }
0x1b1: {  	v1 =	vld.idx.msk [tilespmem:v1+s5+$0x0], $0xffff;
	_ =	sdelay $0x5  }
0x1b2: {  	[tilespmem:s23+$0x1D770] =	vst v1;
	v1 =	vld [tilespmem:s23+$0x1B790]  }
0x1b3: {  	v0 =	vld.idx.msk [tilespmem:v0+s5+$0x0], $0xffff;
	_ =	sdelay $0x5  }
0x1b4: {  	[tilespmem:s23+$0x1D780] =	vst v0;
	v0 =	vld [tilespmem:s23+$0x1B7A0]  }
0x1b5: {  	v1 =	vld.idx.msk [tilespmem:v1+s5+$0x0], $0xffff;
	_ =	sdelay $0x5  }
0x1b6: {  	[tilespmem:s23+$0x1D790] =	vst v1;
	v1 =	vld [tilespmem:s23+$0x1B7B0]  }
0x1b7: {  	v0 =	vld.idx.msk [tilespmem:v0+s5+$0x0], $0xffff;
	_ =	sdelay $0x5  }
0x1b8: {  	[tilespmem:s23+$0x1D7A0] =	vst v0;
	v0 =	vld [tilespmem:s23+$0x1B7C0]  }
0x1b9: {  	v1 =	vld.idx.msk [tilespmem:v1+s5+$0x0], $0xffff;
	_ =	sdelay $0x5  }
0x1ba: {  	[tilespmem:s23+$0x1D7B0] =	vst v1;
	v1 =	vld [tilespmem:s23+$0x1B7D0]  }
0x1bb: {  	v0 =	vld.idx.msk [tilespmem:v0+s5+$0x0], $0xffff;
	_ =	sdelay $0x5  }
0x1bc: {  	[tilespmem:s23+$0x1D7C0] =	vst v0;
	v2 =	vld [tilespmem:s23+$0x1B7E0]  }
0x1bd: {  	v0 =	vld.idx.msk [tilespmem:v1+s5+$0x0], $0xffff;
	_ =	sdelay $0x5  }
0x1be: {  	[tilespmem:s23+$0x1D7D0] =	vst v0;
	v0 =	vld [tilespmem:s23+$0x1B7F0]  }
0x1bf: {  	v1 =	vld.idx.msk [tilespmem:v2+s5+$0x0], $0xffff  }
.Ltmp3:
0x1c0: {  	(pc) =	sbr.rel @p0 .LBB2_9-.Ltmp3, $2  }
0x1c1: {  	_ =	sdelay $0x2  }
0x1c2: {  	s25 =	sshra.s32 s24, $0x2;
	s24 =	sadd.s32 $0x400, s24  }
0x1c3: {  	_ =	sdelay $0x1  }
0x1c4: {  	v2 =	vld [tilespmem:s25+$0x1B700]  }
0x1c5: {  	[tilespmem:s23+$0x1D7E0] =	vst v1  }
0x1c6: {  	v0 =	vld.idx.msk [tilespmem:v0+s5+$0x0], $0xffff;
	_ =	sdelay $0x3  }
0x1c7: {  	v1 =	vld [tilespmem:s25+$0x1B710]  }
0x1c8: {  	[tilespmem:s23+$0x1D7F0] =	vst v0  }
0x1c9: {  	v0 =	vld.idx.msk [tilespmem:v2+s5+$0x0], $0xffff;
	_ =	sdelay $0x3  }
0x1ca: {  	v50 =	vld [tilespmem:s25+$0x1B720]  }
0x1cb: {  	[tilespmem:s25+$0x1D700] =	vst v0  }
0x1cc: {  	v1 =	vld.idx.msk [tilespmem:v1+s5+$0x0], $0xffff;
	_ =	sdelay $0x3  }
0x1cd: {  	v51 =	vld [tilespmem:s25+$0x1B730]  }
0x1ce: {  	[tilespmem:s25+$0x1D710] =	vst v1  }
0x1cf: {  	v0 =	vld.idx.msk [tilespmem:v50+s5+$0x0], $0xffff;
	_ =	sdelay $0x3  }
0x1d0: {  	v52 =	vld [tilespmem:s25+$0x1B740]  }
0x1d1: {  	[tilespmem:s25+$0x1D720] =	vst v0  }
0x1d2: {  	v1 =	vld.idx.msk [tilespmem:v51+s5+$0x0], $0xffff;
	_ =	sdelay $0x3  }
0x1d3: {  	v53 =	vld [tilespmem:s25+$0x1B750]  }
0x1d4: {  	[tilespmem:s25+$0x1D730] =	vst v1  }
0x1d5: {  	v0 =	vld.idx.msk [tilespmem:v52+s5+$0x0], $0xffff;
	_ =	sdelay $0x3  }
0x1d6: {  	v54 =	vld [tilespmem:s25+$0x1B760]  }
0x1d7: {  	[tilespmem:s25+$0x1D740] =	vst v0  }
0x1d8: {  	v1 =	vld.idx.msk [tilespmem:v53+s5+$0x0], $0xffff;
	_ =	sdelay $0x3  }
0x1d9: {  	v55 =	vld [tilespmem:s25+$0x1B770]  }
0x1da: {  	[tilespmem:s25+$0x1D750] =	vst v1  }
0x1db: {  	v0 =	vld.idx.msk [tilespmem:v54+s5+$0x0], $0xffff;
	_ =	sdelay $0x3  }
0x1dc: {  	v56 =	vld [tilespmem:s25+$0x1B780]  }
0x1dd: {  	[tilespmem:s25+$0x1D760] =	vst v0  }
0x1de: {  	v1 =	vld.idx.msk [tilespmem:v55+s5+$0x0], $0xffff;
	_ =	sdelay $0x3  }
0x1df: {  	v57 =	vld [tilespmem:s25+$0x1B790]  }
0x1e0: {  	[tilespmem:s25+$0x1D770] =	vst v1  }
0x1e1: {  	v0 =	vld.idx.msk [tilespmem:v56+s5+$0x0], $0xffff;
	_ =	sdelay $0x3  }
0x1e2: {  	v58 =	vld [tilespmem:s25+$0x1B7A0]  }
0x1e3: {  	[tilespmem:s25+$0x1D780] =	vst v0  }
0x1e4: {  	v1 =	vld.idx.msk [tilespmem:v57+s5+$0x0], $0xffff;
	_ =	sdelay $0x3  }
0x1e5: {  	v59 =	vld [tilespmem:s25+$0x1B7B0]  }
0x1e6: {  	[tilespmem:s25+$0x1D790] =	vst v1  }
0x1e7: {  	v0 =	vld.idx.msk [tilespmem:v58+s5+$0x0], $0xffff;
	_ =	sdelay $0x3  }
0x1e8: {  	v60 =	vld [tilespmem:s25+$0x1B7C0]  }
0x1e9: {  	[tilespmem:s25+$0x1D7A0] =	vst v0  }
0x1ea: {  	v1 =	vld.idx.msk [tilespmem:v59+s5+$0x0], $0xffff;
	_ =	sdelay $0x3  }
0x1eb: {  	v61 =	vld [tilespmem:s25+$0x1B7D0]  }
0x1ec: {  	[tilespmem:s25+$0x1D7B0] =	vst v1  }
0x1ed: {  	v0 =	vld.idx.msk [tilespmem:v60+s5+$0x0], $0xffff;
	_ =	sdelay $0x3  }
0x1ee: {  	v62 =	vld [tilespmem:s25+$0x1B7E0]  }
0x1ef: {  	[tilespmem:s25+$0x1D7C0] =	vst v0  }
0x1f0: {  	v1 =	vld.idx.msk [tilespmem:v61+s5+$0x0], $0xffff;
	_ =	sdelay $0x3  }
0x1f1: {  	v63 =	vld [tilespmem:s25+$0x1B7F0]  }
0x1f2: {  	[tilespmem:s25+$0x1D7D0] =	vst v1  }
0x1f3: {  	v0 =	vld.idx.msk [tilespmem:v62+s5+$0x0], $0xffff;
	_ =	sdelay $0x4  }
0x1f4: {  	[tilespmem:s25+$0x1D7E0] =	vst v0  }
0x1f5: {  	s20 =	sadd.s32 $0x1, s20;
	v0 =	vld.idx.msk [tilespmem:v63+s5+$0x0], $0xffff  }
0x1f6: {  	p0 =	sne.s32 s20, $0x1A  }
.Ltmp4:
0x1f7: {  	_ = 	snop;
	(pc) =	sbr.rel @p0 .LBB2_2-.Ltmp4, $3  }
0x1f8: {  	_ =	sdelay $0x1  }
0x1f9: {  	s22 =	sadd.s32 s22, s10;
	[tilespmem:s25+$0x1D7F0] =	vst v0  }
0x1fa: {  	[hbm4b:s22+s13] =	stream.strided.scatter [tilespmem:s17], [sflag:$0x2], $0x1000, s14, s13, $0x38;
	[tilespmem:$0x1E700] =	vst v63  }
0x1fb: {  	s19 =	sadd.s32 $0x1, s19  }
0x1fc: {  	_ =	swait.ge [sflag:s12], $0x1000;
	p0 =	sne.s32 s19, s11  }
.Ltmp5:
0x1fd: {  	[sflag:s12] =	ssyncset.done $0x0;
	(pc) =	sbr.rel @p0 .LBB2_1-.Ltmp5, $4  }
0x1fe: {  	[sflag:s12] =	ssyncadd.s32 $0xFFFFF000  }
0x1ff: {  	_ =	swait.ge [sflag:s18], $0x1000  }
0x200: {  	[sflag:s18] =	ssyncset.done $0x0  }
0x201: {  	[sflag:s18] =	ssyncadd.s32 $0xFFFFF000  }
0x202: {  	_ =	sfence.sel $0x180000  }
0x203: {  	[bflag:$0x0] =	sbarrier.arrive $0xFFFF  }
0x204: {  	p0 =	sne.s32 s2, $0x0;
	_ =	strace $0x90000047  }
0x205: {  	s0 =	sadd.s32 @!p0 $0x100000, s0;
	[bflag:$0x2] =	sbarrier.arrive $0xFFFF  }
0x206: {  	[sflag:s0] =	ssyncadd.tile.s32 @!p0 $0x1;
	_ =	shalt  }
.Lfunc_end2:
_tile_overlayer_lowered:
.L_overlay_start_2:
0x207: {  	(tag) =	ssettag $0x2  }
0x208: {  	s0 =	rddreg [dreg:$0x0];
	s2 =	stileid.u32  }
0x209: {  	s1 =	rddreg [dreg:$0x1];
	p0 =	sne.s32 s2, $0x0  }
0x20a: {  	s3 =	rddreg [dreg:$0x2];
	[bflag:$0x3] =	sbarrier.arrive $0xFFFF;
	s2 =	simm.s32 @!p0 $0x1C04  }
0x20b: {  	[timem:s3], [sflag:s2] =	dma.local @!p0 [hbm:s0], s1  }
0x20c: {  	s0 =	simm.s32 @!p0 $0x4  }
0x20d: {  	_ =	swait.ge @!p0 [sflag:s0], s1  }
0x20e: {  	s1 =	ssub.s32 @!p0 $0x0, s1;
	[sflag:s0] =	ssyncset.done @!p0 $0x0  }
0x20f: {  	[sflag:s0] =	ssyncadd.s32 @!p0 s1  }
0x210: {  	[bflag:$0x3] =	sbarrier.arrive $0xFFFF  }
0x211: {  	_ =	shalt  }

</sc_bundles>
